<compile_context>
chip_gen: v7x
topology: tpu7x:2x2x1
jax: 0.10.2.dev20260603
libtpu: 0.0.44.dev20260713+nightly
codegen_flags: <defaults>
</compile_context>

<pallas_src>
import functools

import jax
import jax.numpy as jnp
from jax import lax
from jax.experimental import pallas as pl
from jax.experimental.pallas import tpu as pltpu
from jax.experimental.pallas import tpu_sc as plsc

N = 320000
D = 128
S = 1024

NC = 2
NS = 16
NW = NC * NS
RPW = N // NW
IPS = 80
GPW = RPW // IPS
NG = N // IPS
CW = 16

NCH_A = GPW
NCH_C = GPW

_MESH = plsc.VectorSubcoreMesh(
    core_axis_name="c", subcore_axis_name="s", num_cores=NC, num_subcores=NS
)


@functools.partial(
    pl.kernel,
    out_type=(
        jax.ShapeDtypeStruct((NC, S, D), jnp.float32),
        jax.ShapeDtypeStruct((NC, S, D), jnp.float32),
    ),
    mesh=_MESH,
    scratch_types=[
        pltpu.VMEM((GPW, IPS), jnp.int32),
        pltpu.VMEM((2, IPS, D), jnp.float32),
        pltpu.VMEM((IPS, D), jnp.float32),
        pltpu.VMEM_SHARED((S, D), jnp.float32),
        pltpu.VMEM_SHARED((S, D), jnp.float32),
        pltpu.SemaphoreType.DMA,
        pltpu.SemaphoreType.DMA,
        pltpu.SemaphoreType.DMA,
    ],
)
def _segsum_kernel(hv3_hbm, bid3_hbm,
                   psum_hbm, pcnt_hbm,
                   idx_v, chunk_v, ones_v, acc_s, cnt_s,
                   semh0, semh1, semc):
    semh = (semh0, semh1)
    c = lax.axis_index("c")
    s = lax.axis_index("s")
    w = s * NC + c
    rows = S // NS

    def h_copy(i, b):
        return pltpu.make_async_copy(
            hv3_hbm.at[w * GPW + i], chunk_v.at[b], semh[b])

    zv = jnp.zeros((16,), jnp.float32)

    def zero_body(r, carry):
        for j in range(D // 16):
            chunk_v[0, r, pl.ds(j * 16, 16)] = zv
        return carry

    lax.fori_loop(0, rows, zero_body, 0)
    pltpu.sync_copy(chunk_v.at[0].at[pl.ds(0, rows)],
                    acc_s.at[pl.ds(s * rows, rows)])
    pltpu.sync_copy(chunk_v.at[0].at[pl.ds(0, rows)],
                    cnt_s.at[pl.ds(s * rows, rows)])
    ov = jnp.ones((16,), jnp.float32)

    def ones_body(r, carry):
        for j in range(D // 16):
            ones_v[r, pl.ds(j * 16, 16)] = ov
        return carry

    lax.fori_loop(0, IPS, ones_body, 0)
    pltpu.sync_copy(bid3_hbm.at[w], idx_v)
    plsc.subcore_barrier()
    h_copy(0, 0).start()

    def pair_body(k, carry):
        for b in range(2):
            i = 2 * k + b
            nb = 1 - b

            @pl.when(i < NCH_A - 1)
            def _start_next_load():
                h_copy(i + 1, nb).start()

            h_copy(i, b).wait()
            pltpu.sync_copy(chunk_v.at[b], acc_s.at[idx_v.at[i]], add=True)
            pltpu.async_copy(ones_v, cnt_s.at[idx_v.at[i]], semc, add=True)
        return carry

    lax.fori_loop(0, NCH_A // 2, pair_body, 0)
    h_copy(NCH_A - 1, 0).wait()
    pltpu.sync_copy(chunk_v.at[0], acc_s.at[idx_v.at[NCH_A - 1]], add=True)
    pltpu.async_copy(ones_v, cnt_s.at[idx_v.at[NCH_A - 1]], semc, add=True)

    def cnt_drain(i, carry):
        pltpu.make_async_copy(ones_v, cnt_s.at[idx_v.at[i]], semc).wait()
        return carry

    lax.fori_loop(0, GPW, cnt_drain, 0)
    plsc.subcore_barrier()

    pltpu.sync_copy(acc_s.at[pl.ds(s * rows, rows)],
                    psum_hbm.at[c].at[pl.ds(s * rows, rows)])
    pltpu.sync_copy(cnt_s.at[pl.ds(s * rows, rows)],
                    pcnt_hbm.at[c].at[pl.ds(s * rows, rows)])


def _mlp_body(psum_ref, pcnt_ref, w1_ref, b1_ref, w2_ref, b2_ref, gate_ref):
    sums = psum_ref[0] + psum_ref[1]
    cnt_rows = pcnt_ref[0] + pcnt_ref[1]
    counts = jnp.sum(cnt_rows, axis=1) * (1.0 / D)
    c_v = sums / jnp.clip(counts, 1.0, None)[:, None]
    hmid = jnp.maximum(
        jnp.dot(c_v, w1_ref[...], preferred_element_type=jnp.float32)
        + b1_ref[...], 0.0)
    logits = (jnp.dot(hmid, w2_ref[...], preferred_element_type=jnp.float32)
              + b2_ref[...])
    gate_ref[...] = 1.0 / (1.0 + jnp.exp(-logits))


_mlp_call = pl.pallas_call(
    _mlp_body,
    out_shape=jax.ShapeDtypeStruct((S, D), jnp.float32),
)


@functools.partial(
    pl.kernel,
    out_type=jax.ShapeDtypeStruct((NG, IPS, D), jnp.float32),
    mesh=_MESH,
    scratch_types=[
        pltpu.VMEM((GPW, IPS), jnp.int32),
        pltpu.VMEM((2, IPS, D), jnp.float32),
        pltpu.VMEM((2, IPS, D), jnp.float32),
        pltpu.VMEM_SHARED((S, D), jnp.float32),
        pltpu.SemaphoreType.DMA,
        pltpu.SemaphoreType.DMA,
        pltpu.SemaphoreType.DMA,
        pltpu.SemaphoreType.DMA,
        pltpu.SemaphoreType.DMA,
        pltpu.SemaphoreType.DMA,
    ],
)
def _gatemul_kernel(hv3_hbm, bid3_hbm, gate_hbm, out3_hbm,
                    idx_v, h_v, g_v, gate_s,
                    semh0, semh1, semg0, semg1, semo0, semo1):
    semh = (semh0, semh1)
    semg = (semg0, semg1)
    semo = (semo0, semo1)
    c = lax.axis_index("c")
    s = lax.axis_index("s")
    w = s * NC + c

    def h_copy(i, b):
        return pltpu.make_async_copy(
            hv3_hbm.at[w * GPW + i], h_v.at[b], semh[b])

    def g_copy(i, b):
        return pltpu.make_async_copy(
            gate_s.at[idx_v.at[i]], g_v.at[b], semg[b])

    def o_copy(i, b):
        return pltpu.make_async_copy(
            h_v.at[b], out3_hbm.at[w * GPW + i], semo[b])

    h_copy(0, 0).start()
    pltpu.sync_copy(bid3_hbm.at[w], idx_v)
    rows = S // NS
    pltpu.sync_copy(gate_hbm.at[pl.ds(s * rows, rows)],
                    gate_s.at[pl.ds(s * rows, rows)])
    plsc.subcore_barrier()
    g_copy(0, 0).start()

    def pair_body(k, carry):
        for b in range(2):
            i = 2 * k + b
            nb = 1 - b

            @pl.when(i > 0)
            def _wait_prev_out():
                o_copy(i - 1, nb).wait()

            @pl.when(i < NCH_C - 1)
            def _start_next_loads():
                h_copy(i + 1, nb).start()
                g_copy(i + 1, nb).start()

            h_copy(i, b).wait()
            g_copy(i, b).wait()

            def row_body(r, carry2):
                for j in range(D // 16):
                    sl = pl.ds(j * 16, 16)
                    h_v[b, r, sl] = h_v[b, r, sl] * g_v[b, r, sl]
                return carry2

            lax.fori_loop(0, IPS, row_body, 0)
            o_copy(i, b).start()
        return carry

    lax.fori_loop(0, NCH_C // 2, pair_body, 0)
    o_copy(NCH_C - 2, 1).wait()
    h_copy(NCH_C - 1, 0).wait()
    g_copy(NCH_C - 1, 0).wait()

    def last_row_body(r, carry2):
        for j in range(D // 16):
            sl = pl.ds(j * 16, 16)
            h_v[0, r, sl] = h_v[0, r, sl] * g_v[0, r, sl]
        return carry2

    lax.fori_loop(0, IPS, last_row_body, 0)
    o_copy(NCH_C - 1, 0).start()
    o_copy(NCH_C - 1, 0).wait()


def kernel(h_V, batch_id, W1, b1, W2, b2):
    hv3 = h_V.reshape(NG, IPS, D)
    bid3 = batch_id.astype(jnp.int32).reshape(NW, GPW, IPS)
    psum, pcnt = _segsum_kernel(hv3, bid3)
    gate = _mlp_call(psum, pcnt, W1, b1.reshape(1, D), W2, b2.reshape(1, D))
    out3 = _gatemul_kernel(hv3, bid3, gate)
    return out3.reshape(N, D)

# --- scband reference (transcript-rebuilt; emitter-appended) ---
"""Pipeline reference for scband-context-63488206570149 (READ-ONLY COPY).

The authoritative reference and input builder live on the scoring server;
editing this copy changes nothing except your own understanding.
"""

import jax, jax.numpy as jnp
import numpy as np

N = 320000
D = 128
S = 1024

def setup_inputs(seed: int = 0) -> dict:
    key = jax.random.key(seed)
    k1, k2, k3, k4, k5, k6 = jax.random.split(key, 6)
    h_V = jax.random.normal(k1, (N, D), dtype=jnp.float32)
    batch_id = jnp.sort(jax.random.randint(k2, (N,), 0, S, dtype=jnp.int64))
    # MLP params: Linear(D,D) -> ReLU -> Linear(D,D) -> Sigmoid
    lim = 1.0 / np.sqrt(D)
    W1 = jax.random.uniform(k3, (D, D), dtype=jnp.float32, minval=-lim, maxval=lim)
    b1 = jax.random.uniform(k4, (D,), dtype=jnp.float32, minval=-lim, maxval=lim)
    W2 = jax.random.uniform(k5, (D, D), dtype=jnp.float32, minval=-lim, maxval=lim)
    b2 = jax.random.uniform(k6, (D,), dtype=jnp.float32, minval=-lim, maxval=lim)
    return {"h_V": h_V, "batch_id": batch_id, "W1": W1, "b1": b1, "W2": W2, "b2": b2}

def reference(h_V, batch_id, W1, b1, W2, b2):
    # c_V = scatter_mean(h_V, batch_id, dim=0)
    sums = jax.ops.segment_sum(h_V, batch_id, num_segments=S)
    counts = jax.ops.segment_sum(jnp.ones((h_V.shape[0],), dtype=h_V.dtype), batch_id, num_segments=S)
    c_V = sums / jnp.clip(counts, 1.0, None)[:, None]
    # V_MLP_g: Linear -> ReLU -> Linear -> Sigmoid
    hmid = jax.nn.relu(c_V @ W1 + b1)
    gate = jax.nn.sigmoid(hmid @ W2 + b2)
    # h_V = h_V * gate[batch_id]
    return h_V * jnp.take(gate, batch_id, axis=0)

if __name__ == "__main__":
    import jax
    _d = setup_inputs()
    print(jax.jit(kernel)(*tuple(_d.values())))

</pallas_src>

<mosaic_0001>
#map = affine_map<(d0, d1) -> (0, 0, 0)>
module attributes {stable_mosaic.version = 14 : i64} {
  func.func @_segsum_kernel(%arg0: i32, %arg1: i32, %arg2: memref<4000x80x128xf32, #tpu.memory_space<hbm>>, %arg3: memref<32x125x80xi32, #tpu.memory_space<hbm>>, %arg4: memref<2x1024x128xf32, #tpu.memory_space<hbm>>, %arg5: memref<2x1024x128xf32, #tpu.memory_space<hbm>>, %arg6: memref<125x80xi32, #tpu.memory_space<vmem>>, %arg7: memref<2x80x128xf32, #tpu.memory_space<vmem>>, %arg8: memref<80x128xf32, #tpu.memory_space<vmem>>, %arg9: memref<1024x128xf32, #tpu.memory_space<vmem_shared>>, %arg10: memref<1024x128xf32, #tpu.memory_space<vmem_shared>>, %arg11: memref<!tpu.dma_semaphore, #tpu.memory_space<semaphore_mem>>, %arg12: memref<!tpu.dma_semaphore, #tpu.memory_space<semaphore_mem>>, %arg13: memref<!tpu.dma_semaphore, #tpu.memory_space<semaphore_mem>>) attributes {dimension_semantics = [#tpu.dimension_semantics<core_parallel>, #tpu.dimension_semantics<subcore_parallel>], iteration_bounds = array<i64: 2, 16>, scalar_prefetch = 0 : i64, scratch_operands = 8 : i64, tpu.core_type = #tpu.core_type<sc_vector_subcore>, window_params = [{transform_indices = #map}, {transform_indices = #map}, {transform_indices = #map}, {transform_indices = #map}]} {
    %mul3A = arith.constant 2 : i32
    %mul3A_0 = arith.muli %arg1, %mul3A : i32
    %add3A = arith.addi %mul3A_0, %arg0 : i32
    %broadcast_in_dim3A = arith.constant 0.000000e+00 : f32
    %broadcast_in_dim3A_1 = vector.broadcast %broadcast_in_dim3A : f32 to vector<16xf32>
    %scan3A = arith.constant 0 : i32
    %scan3A_2 = arith.constant 0 : i32
    %scan3A_3 = arith.constant 64 : i32
    %scan3A_4 = arith.addi %scan3A_2, %scan3A_3 : i32
    %scan3A_5 = arith.constant 1 : i32
    scf.for %scan3A_90 = %scan3A_2 to %scan3A_4 step %scan3A_5  : i32 {
      %swap3A = arith.constant 0 : i32
      %swap3A_91 = arith.index_cast %swap3A : i32 to index
      %swap3A_92 = arith.index_cast %scan3A_90 : i32 to index
      %swap3A_93 = arith.constant 0 : index
      %swap3A_94 = tpu.vector_load %arg7[%swap3A_91, %swap3A_92, %swap3A_93] {strides = array<i32>} : memref<2x80x128xf32, #tpu.memory_space<vmem>>, vector<1x1x16xf32>,
      %swap3A_95 = vector.shape_cast %swap3A_94 : vector<1x1x16xf32> to vector<16xf32>
      %swap3A_96 = vector.shape_cast %broadcast_in_dim3A_1 : vector<16xf32> to vector<1x1x16xf32>
      tpu.vector_store %arg7[%swap3A_91, %swap3A_92, %swap3A_93], %swap3A_96 {strides = array<i32>} : memref<2x80x128xf32, #tpu.memory_space<vmem>>, vector<1x1x16xf32>,
      %swap3A_97 = arith.constant 0 : i32
      %swap3A_98 = arith.index_cast %swap3A_97 : i32 to index
      %swap3A_99 = arith.index_cast %scan3A_90 : i32 to index
      %swap3A_100 = arith.constant 16 : index
      %swap3A_101 = tpu.vector_load %arg7[%swap3A_98, %swap3A_99, %swap3A_100] {strides = array<i32>} : memref<2x80x128xf32, #tpu.memory_space<vmem>>, vector<1x1x16xf32>,
      %swap3A_102 = vector.shape_cast %swap3A_101 : vector<1x1x16xf32> to vector<16xf32>
      %swap3A_103 = vector.shape_cast %broadcast_in_dim3A_1 : vector<16xf32> to vector<1x1x16xf32>
      tpu.vector_store %arg7[%swap3A_98, %swap3A_99, %swap3A_100], %swap3A_103 {strides = array<i32>} : memref<2x80x128xf32, #tpu.memory_space<vmem>>, vector<1x1x16xf32>,
      %swap3A_104 = arith.constant 0 : i32
      %swap3A_105 = arith.index_cast %swap3A_104 : i32 to index
      %swap3A_106 = arith.index_cast %scan3A_90 : i32 to index
      %swap3A_107 = arith.constant 32 : index
      %swap3A_108 = tpu.vector_load %arg7[%swap3A_105, %swap3A_106, %swap3A_107] {strides = array<i32>} : memref<2x80x128xf32, #tpu.memory_space<vmem>>, vector<1x1x16xf32>,
      %swap3A_109 = vector.shape_cast %swap3A_108 : vector<1x1x16xf32> to vector<16xf32>
      %swap3A_110 = vector.shape_cast %broadcast_in_dim3A_1 : vector<16xf32> to vector<1x1x16xf32>
      tpu.vector_store %arg7[%swap3A_105, %swap3A_106, %swap3A_107], %swap3A_110 {strides = array<i32>} : memref<2x80x128xf32, #tpu.memory_space<vmem>>, vector<1x1x16xf32>,
      %swap3A_111 = arith.constant 0 : i32
      %swap3A_112 = arith.index_cast %swap3A_111 : i32 to index
      %swap3A_113 = arith.index_cast %scan3A_90 : i32 to index
      %swap3A_114 = arith.constant 48 : index
      %swap3A_115 = tpu.vector_load %arg7[%swap3A_112, %swap3A_113, %swap3A_114] {strides = array<i32>} : memref<2x80x128xf32, #tpu.memory_space<vmem>>, vector<1x1x16xf32>,
      %swap3A_116 = vector.shape_cast %swap3A_115 : vector<1x1x16xf32> to vector<16xf32>
      %swap3A_117 = vector.shape_cast %broadcast_in_dim3A_1 : vector<16xf32> to vector<1x1x16xf32>
      tpu.vector_store %arg7[%swap3A_112, %swap3A_113, %swap3A_114], %swap3A_117 {strides = array<i32>} : memref<2x80x128xf32, #tpu.memory_space<vmem>>, vector<1x1x16xf32>,
      %swap3A_118 = arith.constant 0 : i32
      %swap3A_119 = arith.index_cast %swap3A_118 : i32 to index
      %swap3A_120 = arith.index_cast %scan3A_90 : i32 to index
      %swap3A_121 = arith.constant 64 : index
      %swap3A_122 = tpu.vector_load %arg7[%swap3A_119, %swap3A_120, %swap3A_121] {strides = array<i32>} : memref<2x80x128xf32, #tpu.memory_space<vmem>>, vector<1x1x16xf32>,
      %swap3A_123 = vector.shape_cast %swap3A_122 : vector<1x1x16xf32> to vector<16xf32>
      %swap3A_124 = vector.shape_cast %broadcast_in_dim3A_1 : vector<16xf32> to vector<1x1x16xf32>
      tpu.vector_store %arg7[%swap3A_119, %swap3A_120, %swap3A_121], %swap3A_124 {strides = array<i32>} : memref<2x80x128xf32, #tpu.memory_space<vmem>>, vector<1x1x16xf32>,
      %swap3A_125 = arith.constant 0 : i32
      %swap3A_126 = arith.index_cast %swap3A_125 : i32 to index
      %swap3A_127 = arith.index_cast %scan3A_90 : i32 to index
      %swap3A_128 = arith.constant 80 : index
      %swap3A_129 = tpu.vector_load %arg7[%swap3A_126, %swap3A_127, %swap3A_128] {strides = array<i32>} : memref<2x80x128xf32, #tpu.memory_space<vmem>>, vector<1x1x16xf32>,
      %swap3A_130 = vector.shape_cast %swap3A_129 : vector<1x1x16xf32> to vector<16xf32>
      %swap3A_131 = vector.shape_cast %broadcast_in_dim3A_1 : vector<16xf32> to vector<1x1x16xf32>
      tpu.vector_store %arg7[%swap3A_126, %swap3A_127, %swap3A_128], %swap3A_131 {strides = array<i32>} : memref<2x80x128xf32, #tpu.memory_space<vmem>>, vector<1x1x16xf32>,
      %swap3A_132 = arith.constant 0 : i32
      %swap3A_133 = arith.index_cast %swap3A_132 : i32 to index
      %swap3A_134 = arith.index_cast %scan3A_90 : i32 to index
      %swap3A_135 = arith.constant 96 : index
      %swap3A_136 = tpu.vector_load %arg7[%swap3A_133, %swap3A_134, %swap3A_135] {strides = array<i32>} : memref<2x80x128xf32, #tpu.memory_space<vmem>>, vector<1x1x16xf32>,
      %swap3A_137 = vector.shape_cast %swap3A_136 : vector<1x1x16xf32> to vector<16xf32>
      %swap3A_138 = vector.shape_cast %broadcast_in_dim3A_1 : vector<16xf32> to vector<1x1x16xf32>
      tpu.vector_store %arg7[%swap3A_133, %swap3A_134, %swap3A_135], %swap3A_138 {strides = array<i32>} : memref<2x80x128xf32, #tpu.memory_space<vmem>>, vector<1x1x16xf32>,
      %swap3A_139 = arith.constant 0 : i32
      %swap3A_140 = arith.index_cast %swap3A_139 : i32 to index
      %swap3A_141 = arith.index_cast %scan3A_90 : i32 to index
      %swap3A_142 = arith.constant 112 : index
      %swap3A_143 = tpu.vector_load %arg7[%swap3A_140, %swap3A_141, %swap3A_142] {strides = array<i32>} : memref<2x80x128xf32, #tpu.memory_space<vmem>>, vector<1x1x16xf32>,
      %swap3A_144 = vector.shape_cast %swap3A_143 : vector<1x1x16xf32> to vector<16xf32>
      %swap3A_145 = vector.shape_cast %broadcast_in_dim3A_1 : vector<16xf32> to vector<1x1x16xf32>
      tpu.vector_store %arg7[%swap3A_140, %swap3A_141, %swap3A_142], %swap3A_145 {strides = array<i32>} : memref<2x80x128xf32, #tpu.memory_space<vmem>>, vector<1x1x16xf32>,
    }
    %scan3A_6 = arith.constant 64 : i32
    %mul3A_7 = arith.constant 64 : i32
    %mul3A_8 = arith.muli %arg1, %mul3A_7 : i32
    %run_scoped3A = arith.constant 0 : i32
    "tpu.region"() ({
      %run_scoped3A_90 = tpu.sem_alloc : memref<!tpu.dma_semaphore, #tpu.memory_space<semaphore_mem>>
      %dma_start3A_91 = arith.constant 0 : i32
      %dma_start3A_92 = arith.constant 0 : i32
      %dma_start3A_93 = tpu.memref_slice %arg7[%run_scoped3A, %dma_start3A_91, %dma_start3A_92] : memref<2x80x128xf32, #tpu.memory_space<vmem>> -> memref<1x80x128xf32, #tpu.memory_space<vmem>>
      %dma_start3A_94 = tpu.memref_squeeze %dma_start3A_93 : memref<1x80x128xf32, #tpu.memory_space<vmem>> -> memref<80x128xf32, #tpu.memory_space<vmem>>
      %dma_start3A_95 = arith.constant 0 : i32
      %dma_start3A_96 = arith.constant 0 : i32
      %dma_start3A_97 = tpu.memref_slice %dma_start3A_94[%dma_start3A_95, %dma_start3A_96] : memref<80x128xf32, #tpu.memory_space<vmem>> -> memref<64x128xf32, #tpu.memory_space<vmem>>
      %dma_start3A_98 = arith.constant 0 : i32
      %dma_start3A_99 = tpu.memref_slice %arg9[%mul3A_8, %dma_start3A_98] : memref<1024x128xf32, #tpu.memory_space<vmem_shared>> -> memref<64x128xf32, #tpu.memory_space<vmem_shared>>
      %dma_start3A_100 = arith.constant 0 : i32
      %dma_start3A_101 = tpu.memref_slice %arg9[%mul3A_8, %dma_start3A_100] : memref<1024x128xf32, #tpu.memory_space<vmem_shared>> -> memref<64x128xf32, #tpu.memory_space<vmem_shared>>
      %dma_start3A_102 = arith.constant 0 : i32
      %dma_start3A_103 = arith.constant 0 : i32
      %dma_start3A_104 = tpu.memref_slice %arg7[%run_scoped3A, %dma_start3A_102, %dma_start3A_103] : memref<2x80x128xf32, #tpu.memory_space<vmem>> -> memref<1x80x128xf32, #tpu.memory_space<vmem>>
      %dma_start3A_105 = tpu.memref_squeeze %dma_start3A_104 : memref<1x80x128xf32, #tpu.memory_space<vmem>> -> memref<80x128xf32, #tpu.memory_space<vmem>>
      %dma_start3A_106 = arith.constant 0 : i32
      %dma_start3A_107 = arith.constant 0 : i32
      %dma_start3A_108 = tpu.memref_slice %dma_start3A_105[%dma_start3A_106, %dma_start3A_107] : memref<80x128xf32, #tpu.memory_space<vmem>> -> memref<64x128xf32, #tpu.memory_space<vmem>>
      tpu.enqueue_dma source(%dma_start3A_108 : memref<64x128xf32, #tpu.memory_space<vmem>>) target(%dma_start3A_101 : memref<64x128xf32, #tpu.memory_space<vmem_shared>>) target_semaphore(%run_scoped3A_90 : memref<!tpu.dma_semaphore, #tpu.memory_space<semaphore_mem>>)
      %dma_wait3A_109 = arith.constant 0 : i32
      %dma_wait3A_110 = arith.constant 0 : i32
      %dma_wait3A_111 = tpu.memref_slice %arg7[%run_scoped3A, %dma_wait3A_109, %dma_wait3A_110] : memref<2x80x128xf32, #tpu.memory_space<vmem>> -> memref<1x80x128xf32, #tpu.memory_space<vmem>>
      %dma_wait3A_112 = tpu.memref_squeeze %dma_wait3A_111 : memref<1x80x128xf32, #tpu.memory_space<vmem>> -> memref<80x128xf32, #tpu.memory_space<vmem>>
      %dma_wait3A_113 = arith.constant 0 : i32
      %dma_wait3A_114 = arith.constant 0 : i32
      %dma_wait3A_115 = tpu.memref_slice %dma_wait3A_112[%dma_wait3A_113, %dma_wait3A_114] : memref<80x128xf32, #tpu.memory_space<vmem>> -> memref<64x128xf32, #tpu.memory_space<vmem>>
      %dma_wait3A_116 = arith.constant 0 : i32
      %dma_wait3A_117 = tpu.memref_slice %arg9[%mul3A_8, %dma_wait3A_116] : memref<1024x128xf32, #tpu.memory_space<vmem_shared>> -> memref<64x128xf32, #tpu.memory_space<vmem_shared>>
      %dma_wait3A_118 = arith.constant 0 : i32
      %dma_wait3A_119 = tpu.memref_slice %arg9[%mul3A_8, %dma_wait3A_118] : memref<1024x128xf32, #tpu.memory_space<vmem_shared>> -> memref<64x128xf32, #tpu.memory_space<vmem_shared>>
      %dma_wait3A_120 = arith.constant 0 : i32
      %dma_wait3A_121 = arith.constant 0 : i32
      %dma_wait3A_122 = tpu.memref_slice %arg7[%run_scoped3A, %dma_wait3A_120, %dma_wait3A_121] : memref<2x80x128xf32, #tpu.memory_space<vmem>> -> memref<1x80x128xf32, #tpu.memory_space<vmem>>
      %dma_wait3A_123 = tpu.memref_squeeze %dma_wait3A_122 : memref<1x80x128xf32, #tpu.memory_space<vmem>> -> memref<80x128xf32, #tpu.memory_space<vmem>>
      %dma_wait3A_124 = arith.constant 0 : i32
      %dma_wait3A_125 = arith.constant 0 : i32
      %dma_wait3A_126 = tpu.memref_slice %dma_wait3A_123[%dma_wait3A_124, %dma_wait3A_125] : memref<80x128xf32, #tpu.memory_space<vmem>> -> memref<64x128xf32, #tpu.memory_space<vmem>>
      tpu.wait_dma2 semaphore(%run_scoped3A_90 : memref<!tpu.dma_semaphore, #tpu.memory_space<semaphore_mem>>) src(%dma_wait3A_126 : memref<64x128xf32, #tpu.memory_space<vmem>>) dst(%dma_wait3A_119 : memref<64x128xf32, #tpu.memory_space<vmem_shared>>)
      tpu.yield
    }) : () -> ()
    %mul3A_9 = arith.constant 64 : i32
    %mul3A_10 = arith.muli %arg1, %mul3A_9 : i32
    %run_scoped3A_11 = arith.constant 0 : i32
    "tpu.region"() ({
      %run_scoped3A_90 = tpu.sem_alloc : memref<!tpu.dma_semaphore, #tpu.memory_space<semaphore_mem>>
      %dma_start3A_91 = arith.constant 0 : i32
      %dma_start3A_92 = arith.constant 0 : i32
      %dma_start3A_93 = tpu.memref_slice %arg7[%run_scoped3A_11, %dma_start3A_91, %dma_start3A_92] : memref<2x80x128xf32, #tpu.memory_space<vmem>> -> memref<1x80x128xf32, #tpu.memory_space<vmem>>
      %dma_start3A_94 = tpu.memref_squeeze %dma_start3A_93 : memref<1x80x128xf32, #tpu.memory_space<vmem>> -> memref<80x128xf32, #tpu.memory_space<vmem>>
      %dma_start3A_95 = arith.constant 0 : i32
      %dma_start3A_96 = arith.constant 0 : i32
      %dma_start3A_97 = tpu.memref_slice %dma_start3A_94[%dma_start3A_95, %dma_start3A_96] : memref<80x128xf32, #tpu.memory_space<vmem>> -> memref<64x128xf32, #tpu.memory_space<vmem>>
      %dma_start3A_98 = arith.constant 0 : i32
      %dma_start3A_99 = tpu.memref_slice %arg10[%mul3A_10, %dma_start3A_98] : memref<1024x128xf32, #tpu.memory_space<vmem_shared>> -> memref<64x128xf32, #tpu.memory_space<vmem_shared>>
      %dma_start3A_100 = arith.constant 0 : i32
      %dma_start3A_101 = tpu.memref_slice %arg10[%mul3A_10, %dma_start3A_100] : memref<1024x128xf32, #tpu.memory_space<vmem_shared>> -> memref<64x128xf32, #tpu.memory_space<vmem_shared>>
      %dma_start3A_102 = arith.constant 0 : i32
      %dma_start3A_103 = arith.constant 0 : i32
      %dma_start3A_104 = tpu.memref_slice %arg7[%run_scoped3A_11, %dma_start3A_102, %dma_start3A_103] : memref<2x80x128xf32, #tpu.memory_space<vmem>> -> memref<1x80x128xf32, #tpu.memory_space<vmem>>
      %dma_start3A_105 = tpu.memref_squeeze %dma_start3A_104 : memref<1x80x128xf32, #tpu.memory_space<vmem>> -> memref<80x128xf32, #tpu.memory_space<vmem>>
      %dma_start3A_106 = arith.constant 0 : i32
      %dma_start3A_107 = arith.constant 0 : i32
      %dma_start3A_108 = tpu.memref_slice %dma_start3A_105[%dma_start3A_106, %dma_start3A_107] : memref<80x128xf32, #tpu.memory_space<vmem>> -> memref<64x128xf32, #tpu.memory_space<vmem>>
      tpu.enqueue_dma source(%dma_start3A_108 : memref<64x128xf32, #tpu.memory_space<vmem>>) target(%dma_start3A_101 : memref<64x128xf32, #tpu.memory_space<vmem_shared>>) target_semaphore(%run_scoped3A_90 : memref<!tpu.dma_semaphore, #tpu.memory_space<semaphore_mem>>)
      %dma_wait3A_109 = arith.constant 0 : i32
      %dma_wait3A_110 = arith.constant 0 : i32
      %dma_wait3A_111 = tpu.memref_slice %arg7[%run_scoped3A_11, %dma_wait3A_109, %dma_wait3A_110] : memref<2x80x128xf32, #tpu.memory_space<vmem>> -> memref<1x80x128xf32, #tpu.memory_space<vmem>>
      %dma_wait3A_112 = tpu.memref_squeeze %dma_wait3A_111 : memref<1x80x128xf32, #tpu.memory_space<vmem>> -> memref<80x128xf32, #tpu.memory_space<vmem>>
      %dma_wait3A_113 = arith.constant 0 : i32
      %dma_wait3A_114 = arith.constant 0 : i32
      %dma_wait3A_115 = tpu.memref_slice %dma_wait3A_112[%dma_wait3A_113, %dma_wait3A_114] : memref<80x128xf32, #tpu.memory_space<vmem>> -> memref<64x128xf32, #tpu.memory_space<vmem>>
      %dma_wait3A_116 = arith.constant 0 : i32
      %dma_wait3A_117 = tpu.memref_slice %arg10[%mul3A_10, %dma_wait3A_116] : memref<1024x128xf32, #tpu.memory_space<vmem_shared>> -> memref<64x128xf32, #tpu.memory_space<vmem_shared>>
      %dma_wait3A_118 = arith.constant 0 : i32
      %dma_wait3A_119 = tpu.memref_slice %arg10[%mul3A_10, %dma_wait3A_118] : memref<1024x128xf32, #tpu.memory_space<vmem_shared>> -> memref<64x128xf32, #tpu.memory_space<vmem_shared>>
      %dma_wait3A_120 = arith.constant 0 : i32
      %dma_wait3A_121 = arith.constant 0 : i32
      %dma_wait3A_122 = tpu.memref_slice %arg7[%run_scoped3A_11, %dma_wait3A_120, %dma_wait3A_121] : memref<2x80x128xf32, #tpu.memory_space<vmem>> -> memref<1x80x128xf32, #tpu.memory_space<vmem>>
      %dma_wait3A_123 = tpu.memref_squeeze %dma_wait3A_122 : memref<1x80x128xf32, #tpu.memory_space<vmem>> -> memref<80x128xf32, #tpu.memory_space<vmem>>
      %dma_wait3A_124 = arith.constant 0 : i32
      %dma_wait3A_125 = arith.constant 0 : i32
      %dma_wait3A_126 = tpu.memref_slice %dma_wait3A_123[%dma_wait3A_124, %dma_wait3A_125] : memref<80x128xf32, #tpu.memory_space<vmem>> -> memref<64x128xf32, #tpu.memory_space<vmem>>
      tpu.wait_dma2 semaphore(%run_scoped3A_90 : memref<!tpu.dma_semaphore, #tpu.memory_space<semaphore_mem>>) src(%dma_wait3A_126 : memref<64x128xf32, #tpu.memory_space<vmem>>) dst(%dma_wait3A_119 : memref<64x128xf32, #tpu.memory_space<vmem_shared>>)
      tpu.yield
    }) : () -> ()
    %broadcast_in_dim3A_12 = arith.constant 1.000000e+00 : f32
    %broadcast_in_dim3A_13 = vector.broadcast %broadcast_in_dim3A_12 : f32 to vector<16xf32>
    %scan3A_14 = arith.constant 0 : i32
    %scan3A_15 = arith.constant 0 : i32
    %scan3A_16 = arith.constant 80 : i32
    %scan3A_17 = arith.addi %scan3A_15, %scan3A_16 : i32
    %scan3A_18 = arith.constant 1 : i32
    scf.for %scan3A_90 = %scan3A_15 to %scan3A_17 step %scan3A_18  : i32 {
      %swap3A = arith.index_cast %scan3A_90 : i32 to index
      %swap3A_91 = arith.constant 0 : index
      %swap3A_92 = tpu.vector_load %arg8[%swap3A, %swap3A_91] {strides = array<i32>} : memref<80x128xf32, #tpu.memory_space<vmem>>, vector<1x16xf32>,
      %swap3A_93 = vector.shape_cast %swap3A_92 : vector<1x16xf32> to vector<16xf32>
      %swap3A_94 = vector.shape_cast %broadcast_in_dim3A_13 : vector<16xf32> to vector<1x16xf32>
      tpu.vector_store %arg8[%swap3A, %swap3A_91], %swap3A_94 {strides = array<i32>} : memref<80x128xf32, #tpu.memory_space<vmem>>, vector<1x16xf32>,
      %swap3A_95 = arith.index_cast %scan3A_90 : i32 to index
      %swap3A_96 = arith.constant 16 : index
      %swap3A_97 = tpu.vector_load %arg8[%swap3A_95, %swap3A_96] {strides = array<i32>} : memref<80x128xf32, #tpu.memory_space<vmem>>, vector<1x16xf32>,
      %swap3A_98 = vector.shape_cast %swap3A_97 : vector<1x16xf32> to vector<16xf32>
      %swap3A_99 = vector.shape_cast %broadcast_in_dim3A_13 : vector<16xf32> to vector<1x16xf32>
      tpu.vector_store %arg8[%swap3A_95, %swap3A_96], %swap3A_99 {strides = array<i32>} : memref<80x128xf32, #tpu.memory_space<vmem>>, vector<1x16xf32>,
      %swap3A_100 = arith.index_cast %scan3A_90 : i32 to index
      %swap3A_101 = arith.constant 32 : index
      %swap3A_102 = tpu.vector_load %arg8[%swap3A_100, %swap3A_101] {strides = array<i32>} : memref<80x128xf32, #tpu.memory_space<vmem>>, vector<1x16xf32>,
      %swap3A_103 = vector.shape_cast %swap3A_102 : vector<1x16xf32> to vector<16xf32>
      %swap3A_104 = vector.shape_cast %broadcast_in_dim3A_13 : vector<16xf32> to vector<1x16xf32>
      tpu.vector_store %arg8[%swap3A_100, %swap3A_101], %swap3A_104 {strides = array<i32>} : memref<80x128xf32, #tpu.memory_space<vmem>>, vector<1x16xf32>,
      %swap3A_105 = arith.index_cast %scan3A_90 : i32 to index
      %swap3A_106 = arith.constant 48 : index
      %swap3A_107 = tpu.vector_load %arg8[%swap3A_105, %swap3A_106] {strides = array<i32>} : memref<80x128xf32, #tpu.memory_space<vmem>>, vector<1x16xf32>,
      %swap3A_108 = vector.shape_cast %swap3A_107 : vector<1x16xf32> to vector<16xf32>
      %swap3A_109 = vector.shape_cast %broadcast_in_dim3A_13 : vector<16xf32> to vector<1x16xf32>
      tpu.vector_store %arg8[%swap3A_105, %swap3A_106], %swap3A_109 {strides = array<i32>} : memref<80x128xf32, #tpu.memory_space<vmem>>, vector<1x16xf32>,
      %swap3A_110 = arith.index_cast %scan3A_90 : i32 to index
      %swap3A_111 = arith.constant 64 : index
      %swap3A_112 = tpu.vector_load %arg8[%swap3A_110, %swap3A_111] {strides = array<i32>} : memref<80x128xf32, #tpu.memory_space<vmem>>, vector<1x16xf32>,
      %swap3A_113 = vector.shape_cast %swap3A_112 : vector<1x16xf32> to vector<16xf32>
      %swap3A_114 = vector.shape_cast %broadcast_in_dim3A_13 : vector<16xf32> to vector<1x16xf32>
      tpu.vector_store %arg8[%swap3A_110, %swap3A_111], %swap3A_114 {strides = array<i32>} : memref<80x128xf32, #tpu.memory_space<vmem>>, vector<1x16xf32>,
      %swap3A_115 = arith.index_cast %scan3A_90 : i32 to index
      %swap3A_116 = arith.constant 80 : index
      %swap3A_117 = tpu.vector_load %arg8[%swap3A_115, %swap3A_116] {strides = array<i32>} : memref<80x128xf32, #tpu.memory_space<vmem>>, vector<1x16xf32>,
      %swap3A_118 = vector.shape_cast %swap3A_117 : vector<1x16xf32> to vector<16xf32>
      %swap3A_119 = vector.shape_cast %broadcast_in_dim3A_13 : vector<16xf32> to vector<1x16xf32>
      tpu.vector_store %arg8[%swap3A_115, %swap3A_116], %swap3A_119 {strides = array<i32>} : memref<80x128xf32, #tpu.memory_space<vmem>>, vector<1x16xf32>,
      %swap3A_120 = arith.index_cast %scan3A_90 : i32 to index
      %swap3A_121 = arith.constant 96 : index
      %swap3A_122 = tpu.vector_load %arg8[%swap3A_120, %swap3A_121] {strides = array<i32>} : memref<80x128xf32, #tpu.memory_space<vmem>>, vector<1x16xf32>,
      %swap3A_123 = vector.shape_cast %swap3A_122 : vector<1x16xf32> to vector<16xf32>
      %swap3A_124 = vector.shape_cast %broadcast_in_dim3A_13 : vector<16xf32> to vector<1x16xf32>
      tpu.vector_store %arg8[%swap3A_120, %swap3A_121], %swap3A_124 {strides = array<i32>} : memref<80x128xf32, #tpu.memory_space<vmem>>, vector<1x16xf32>,
      %swap3A_125 = arith.index_cast %scan3A_90 : i32 to index
      %swap3A_126 = arith.constant 112 : index
      %swap3A_127 = tpu.vector_load %arg8[%swap3A_125, %swap3A_126] {strides = array<i32>} : memref<80x128xf32, #tpu.memory_space<vmem>>, vector<1x16xf32>,
      %swap3A_128 = vector.shape_cast %swap3A_127 : vector<1x16xf32> to vector<16xf32>
      %swap3A_129 = vector.shape_cast %broadcast_in_dim3A_13 : vector<16xf32> to vector<1x16xf32>
      tpu.vector_store %arg8[%swap3A_125, %swap3A_126], %swap3A_129 {strides = array<i32>} : memref<80x128xf32, #tpu.memory_space<vmem>>, vector<1x16xf32>,
    }
    %scan3A_19 = arith.constant 80 : i32
    "tpu.region"() ({
      %run_scoped3A_90 = tpu.sem_alloc : memref<!tpu.dma_semaphore, #tpu.memory_space<semaphore_mem>>
      %dma_start3A_91 = arith.constant 0 : i32
      %dma_start3A_92 = arith.constant 0 : i32
      %dma_start3A_93 = tpu.memref_slice %arg3[%add3A, %dma_start3A_91, %dma_start3A_92] : memref<32x125x80xi32, #tpu.memory_space<hbm>> -> memref<1x125x80xi32, #tpu.memory_space<hbm>>
      %dma_start3A_94 = tpu.memref_squeeze %dma_start3A_93 : memref<1x125x80xi32, #tpu.memory_space<hbm>> -> memref<125x80xi32, #tpu.memory_space<hbm>>
      %dma_start3A_95 = arith.constant 0 : i32
      %dma_start3A_96 = arith.constant 0 : i32
      %dma_start3A_97 = tpu.memref_slice %arg3[%add3A, %dma_start3A_95, %dma_start3A_96] : memref<32x125x80xi32, #tpu.memory_space<hbm>> -> memref<1x125x80xi32, #tpu.memory_space<hbm>>
      %dma_start3A_98 = tpu.memref_squeeze %dma_start3A_97 : memref<1x125x80xi32, #tpu.memory_space<hbm>> -> memref<125x80xi32, #tpu.memory_space<hbm>>
      tpu.enqueue_dma source(%dma_start3A_98 : memref<125x80xi32, #tpu.memory_space<hbm>>) target(%arg6 : memref<125x80xi32, #tpu.memory_space<vmem>>) target_semaphore(%run_scoped3A_90 : memref<!tpu.dma_semaphore, #tpu.memory_space<semaphore_mem>>)
      %dma_wait3A_99 = arith.constant 0 : i32
      %dma_wait3A_100 = arith.constant 0 : i32
      %dma_wait3A_101 = tpu.memref_slice %arg3[%add3A, %dma_wait3A_99, %dma_wait3A_100] : memref<32x125x80xi32, #tpu.memory_space<hbm>> -> memref<1x125x80xi32, #tpu.memory_space<hbm>>
      %dma_wait3A_102 = tpu.memref_squeeze %dma_wait3A_101 : memref<1x125x80xi32, #tpu.memory_space<hbm>> -> memref<125x80xi32, #tpu.memory_space<hbm>>
      %dma_wait3A_103 = arith.constant 0 : i32
      %dma_wait3A_104 = arith.constant 0 : i32
      %dma_wait3A_105 = tpu.memref_slice %arg3[%add3A, %dma_wait3A_103, %dma_wait3A_104] : memref<32x125x80xi32, #tpu.memory_space<hbm>> -> memref<1x125x80xi32, #tpu.memory_space<hbm>>
      %dma_wait3A_106 = tpu.memref_squeeze %dma_wait3A_105 : memref<1x125x80xi32, #tpu.memory_space<hbm>> -> memref<125x80xi32, #tpu.memory_space<hbm>>
      tpu.wait_dma2 semaphore(%run_scoped3A_90 : memref<!tpu.dma_semaphore, #tpu.memory_space<semaphore_mem>>) src(%dma_wait3A_106 : memref<125x80xi32, #tpu.memory_space<hbm>>) dst(%arg6 : memref<125x80xi32, #tpu.memory_space<vmem>>)
      tpu.yield
    }) : () -> ()
    %barrier3A = arith.constant 0 : index
    tpu.barrier barrier_id(%barrier3A)
    %mul3A_20 = arith.constant 125 : i32
    %mul3A_21 = arith.muli %add3A, %mul3A_20 : i32
    %add3A_22 = arith.constant 0 : i32
    %add3A_23 = arith.addi %mul3A_21, %add3A_22 : i32
    %dma_start3A = arith.constant 0 : i32
    %dma_start3A_24 = arith.constant 0 : i32
    %dma_start3A_25 = arith.constant 0 : i32
    %dma_start3A_26 = tpu.memref_slice %arg7[%dma_start3A, %dma_start3A_24, %dma_start3A_25] : memref<2x80x128xf32, #tpu.memory_space<vmem>> -> memref<1x80x128xf32, #tpu.memory_space<vmem>>
    %dma_start3A_27 = tpu.memref_squeeze %dma_start3A_26 : memref<1x80x128xf32, #tpu.memory_space<vmem>> -> memref<80x128xf32, #tpu.memory_space<vmem>>
    %dma_start3A_28 = arith.constant 0 : i32
    %dma_start3A_29 = arith.constant 0 : i32
    %dma_start3A_30 = tpu.memref_slice %arg2[%add3A_23, %dma_start3A_28, %dma_start3A_29] : memref<4000x80x128xf32, #tpu.memory_space<hbm>> -> memref<1x80x128xf32, #tpu.memory_space<hbm>>
    %dma_start3A_31 = tpu.memref_squeeze %dma_start3A_30 : memref<1x80x128xf32, #tpu.memory_space<hbm>> -> memref<80x128xf32, #tpu.memory_space<hbm>>
    %dma_start3A_32 = arith.constant 0 : i32
    %dma_start3A_33 = arith.constant 0 : i32
    %dma_start3A_34 = tpu.memref_slice %arg7[%dma_start3A, %dma_start3A_32, %dma_start3A_33] : memref<2x80x128xf32, #tpu.memory_space<vmem>> -> memref<1x80x128xf32, #tpu.memory_space<vmem>>
    %dma_start3A_35 = tpu.memref_squeeze %dma_start3A_34 : memref<1x80x128xf32, #tpu.memory_space<vmem>> -> memref<80x128xf32, #tpu.memory_space<vmem>>
    %dma_start3A_36 = arith.constant 0 : i32
    %dma_start3A_37 = arith.constant 0 : i32
    %dma_start3A_38 = tpu.memref_slice %arg2[%add3A_23, %dma_start3A_36, %dma_start3A_37] : memref<4000x80x128xf32, #tpu.memory_space<hbm>> -> memref<1x80x128xf32, #tpu.memory_space<hbm>>
    %dma_start3A_39 = tpu.memref_squeeze %dma_start3A_38 : memref<1x80x128xf32, #tpu.memory_space<hbm>> -> memref<80x128xf32, #tpu.memory_space<hbm>>
    tpu.enqueue_dma source(%dma_start3A_39 : memref<80x128xf32, #tpu.memory_space<hbm>>) target(%dma_start3A_35 : memref<80x128xf32, #tpu.memory_space<vmem>>) target_semaphore(%arg11 : memref<!tpu.dma_semaphore, #tpu.memory_space<semaphore_mem>>)
    %scan3A_40 = arith.constant 0 : i32
    %scan3A_41 = arith.constant 0 : i32
    %scan3A_42 = arith.constant 62 : i32
    %scan3A_43 = arith.addi %scan3A_41, %scan3A_42 : i32
    %scan3A_44 = arith.constant 1 : i32
    scf.for %scan3A_90 = %scan3A_41 to %scan3A_43 step %scan3A_44  : i32 {
      %mul3A_91 = arith.constant 2 : i32
      %mul3A_92 = arith.muli %mul3A_91, %scan3A_90 : i32
      %add3A_93 = arith.constant 0 : i32
      %add3A_94 = arith.addi %mul3A_92, %add3A_93 : i32
      %lt3A = arith.constant 124 : i32
      %lt3A_95 = arith.cmpi slt, %add3A_94, %lt3A : i32
      %convert_element_type3A = arith.extui %lt3A_95 : i1 to i32
      %cond3A = arith.constant 0 : i32
      %cond3A_96 = arith.cmpi ne, %convert_element_type3A, %cond3A : i32
      scf.if %cond3A_96 {
        %add3A_160 = arith.constant 1 : i32
        %add3A_161 = arith.addi %add3A_94, %add3A_160 : i32
        %mul3A_162 = arith.constant 125 : i32
        %mul3A_163 = arith.muli %add3A, %mul3A_162 : i32
        %add3A_164 = arith.addi %mul3A_163, %add3A_161 : i32
        %dma_start3A_165 = arith.constant 1 : i32
        %dma_start3A_166 = arith.constant 0 : i32
        %dma_start3A_167 = arith.constant 0 : i32
        %dma_start3A_168 = tpu.memref_slice %arg7[%dma_start3A_165, %dma_start3A_166, %dma_start3A_167] : memref<2x80x128xf32, #tpu.memory_space<vmem>> -> memref<1x80x128xf32, #tpu.memory_space<vmem>>
        %dma_start3A_169 = tpu.memref_squeeze %dma_start3A_168 : memref<1x80x128xf32, #tpu.memory_space<vmem>> -> memref<80x128xf32, #tpu.memory_space<vmem>>
        %dma_start3A_170 = arith.constant 0 : i32
        %dma_start3A_171 = arith.constant 0 : i32
        %dma_start3A_172 = tpu.memref_slice %arg2[%add3A_164, %dma_start3A_170, %dma_start3A_171] : memref<4000x80x128xf32, #tpu.memory_space<hbm>> -> memref<1x80x128xf32, #tpu.memory_space<hbm>>
        %dma_start3A_173 = tpu.memref_squeeze %dma_start3A_172 : memref<1x80x128xf32, #tpu.memory_space<hbm>> -> memref<80x128xf32, #tpu.memory_space<hbm>>
        %dma_start3A_174 = arith.constant 0 : i32
        %dma_start3A_175 = arith.constant 0 : i32
        %dma_start3A_176 = tpu.memref_slice %arg7[%dma_start3A_165, %dma_start3A_174, %dma_start3A_175] : memref<2x80x128xf32, #tpu.memory_space<vmem>> -> memref<1x80x128xf32, #tpu.memory_space<vmem>>
        %dma_start3A_177 = tpu.memref_squeeze %dma_start3A_176 : memref<1x80x128xf32, #tpu.memory_space<vmem>> -> memref<80x128xf32, #tpu.memory_space<vmem>>
        %dma_start3A_178 = arith.constant 0 : i32
        %dma_start3A_179 = arith.constant 0 : i32
        %dma_start3A_180 = tpu.memref_slice %arg2[%add3A_164, %dma_start3A_178, %dma_start3A_179] : memref<4000x80x128xf32, #tpu.memory_space<hbm>> -> memref<1x80x128xf32, #tpu.memory_space<hbm>>
        %dma_start3A_181 = tpu.memref_squeeze %dma_start3A_180 : memref<1x80x128xf32, #tpu.memory_space<hbm>> -> memref<80x128xf32, #tpu.memory_space<hbm>>
        tpu.enqueue_dma source(%dma_start3A_181 : memref<80x128xf32, #tpu.memory_space<hbm>>) target(%dma_start3A_177 : memref<80x128xf32, #tpu.memory_space<vmem>>) target_semaphore(%arg12 : memref<!tpu.dma_semaphore, #tpu.memory_space<semaphore_mem>>)
      } else {
      }
      %mul3A_97 = arith.constant 125 : i32
      %mul3A_98 = arith.muli %add3A, %mul3A_97 : i32
      %add3A_99 = arith.addi %mul3A_98, %add3A_94 : i32
      %dma_wait3A_100 = arith.constant 0 : i32
      %dma_wait3A_101 = arith.constant 0 : i32
      %dma_wait3A_102 = arith.constant 0 : i32
      %dma_wait3A_103 = tpu.memref_slice %arg7[%dma_wait3A_100, %dma_wait3A_101, %dma_wait3A_102] : memref<2x80x128xf32, #tpu.memory_space<vmem>> -> memref<1x80x128xf32, #tpu.memory_space<vmem>>
      %dma_wait3A_104 = tpu.memref_squeeze %dma_wait3A_103 : memref<1x80x128xf32, #tpu.memory_space<vmem>> -> memref<80x128xf32, #tpu.memory_space<vmem>>
      %dma_wait3A_105 = arith.constant 0 : i32
      %dma_wait3A_106 = arith.constant 0 : i32
      %dma_wait3A_107 = tpu.memref_slice %arg2[%add3A_99, %dma_wait3A_105, %dma_wait3A_106] : memref<4000x80x128xf32, #tpu.memory_space<hbm>> -> memref<1x80x128xf32, #tpu.memory_space<hbm>>
      %dma_wait3A_108 = tpu.memref_squeeze %dma_wait3A_107 : memref<1x80x128xf32, #tpu.memory_space<hbm>> -> memref<80x128xf32, #tpu.memory_space<hbm>>
      %dma_wait3A_109 = arith.constant 0 : i32
      %dma_wait3A_110 = arith.constant 0 : i32
      %dma_wait3A_111 = tpu.memref_slice %arg7[%dma_wait3A_100, %dma_wait3A_109, %dma_wait3A_110] : memref<2x80x128xf32, #tpu.memory_space<vmem>> -> memref<1x80x128xf32, #tpu.memory_space<vmem>>
      %dma_wait3A_112 = tpu.memref_squeeze %dma_wait3A_111 : memref<1x80x128xf32, #tpu.memory_space<vmem>> -> memref<80x128xf32, #tpu.memory_space<vmem>>
      %dma_wait3A_113 = arith.constant 0 : i32
      %dma_wait3A_114 = arith.constant 0 : i32
      %dma_wait3A_115 = tpu.memref_slice %arg2[%add3A_99, %dma_wait3A_113, %dma_wait3A_114] : memref<4000x80x128xf32, #tpu.memory_space<hbm>> -> memref<1x80x128xf32, #tpu.memory_space<hbm>>
      %dma_wait3A_116 = tpu.memref_squeeze %dma_wait3A_115 : memref<1x80x128xf32, #tpu.memory_space<hbm>> -> memref<80x128xf32, #tpu.memory_space<hbm>>
      tpu.wait_dma2 semaphore(%arg11 : memref<!tpu.dma_semaphore, #tpu.memory_space<semaphore_mem>>) src(%dma_wait3A_116 : memref<80x128xf32, #tpu.memory_space<hbm>>) dst(%dma_wait3A_112 : memref<80x128xf32, #tpu.memory_space<vmem>>)
      %run_scoped3A_117 = arith.constant 0 : i32
      "tpu.region"() ({
        %run_scoped3A_160 = tpu.sem_alloc : memref<!tpu.dma_semaphore, #tpu.memory_space<semaphore_mem>>
        %dma_start3A_161 = arith.constant 0 : i32
        %dma_start3A_162 = arith.constant 0 : i32
        %dma_start3A_163 = tpu.memref_slice %arg7[%run_scoped3A_117, %dma_start3A_161, %dma_start3A_162] : memref<2x80x128xf32, #tpu.memory_space<vmem>> -> memref<1x80x128xf32, #tpu.memory_space<vmem>>
        %dma_start3A_164 = tpu.memref_squeeze %dma_start3A_163 : memref<1x80x128xf32, #tpu.memory_space<vmem>> -> memref<80x128xf32, #tpu.memory_space<vmem>>
        %dma_start3A_165 = arith.constant 0 : i32
        %dma_start3A_166 = tpu.memref_slice %arg6[%add3A_94, %dma_start3A_165] : memref<125x80xi32, #tpu.memory_space<vmem>> -> memref<1x80xi32, #tpu.memory_space<vmem>>
        %dma_start3A_167 = tpu.memref_squeeze %dma_start3A_166 : memref<1x80xi32, #tpu.memory_space<vmem>> -> memref<80xi32, #tpu.memory_space<vmem>>
        %dma_start3A_168 = arith.constant 0 : i32
        %dma_start3A_169 = arith.constant 0 : i32
        %dma_start3A_170 = tpu.memref_slice %arg9[%dma_start3A_168, %dma_start3A_169] : memref<1024x128xf32, #tpu.memory_space<vmem_shared>> -> memref<1024x128xf32, #tpu.memory_space<vmem_shared>>
        tpu.enqueue_indirect_dma source(%dma_start3A_164 : memref<80x128xf32, #tpu.memory_space<vmem>>) target(%dma_start3A_170 : memref<1024x128xf32, #tpu.memory_space<vmem_shared>>) offsets(%dma_start3A_167 : memref<80xi32, #tpu.memory_space<vmem>>) semaphore(%run_scoped3A_160 : memref<!tpu.dma_semaphore, #tpu.memory_space<semaphore_mem>>) {add = true}
        %dma_wait3A_171 = arith.constant 0 : i32
        %dma_wait3A_172 = arith.constant 0 : i32
        %dma_wait3A_173 = tpu.memref_slice %arg7[%run_scoped3A_117, %dma_wait3A_171, %dma_wait3A_172] : memref<2x80x128xf32, #tpu.memory_space<vmem>> -> memref<1x80x128xf32, #tpu.memory_space<vmem>>
        %dma_wait3A_174 = tpu.memref_squeeze %dma_wait3A_173 : memref<1x80x128xf32, #tpu.memory_space<vmem>> -> memref<80x128xf32, #tpu.memory_space<vmem>>
        %dma_wait3A_175 = arith.constant 0 : i32
        %dma_wait3A_176 = tpu.memref_slice %arg6[%add3A_94, %dma_wait3A_175] : memref<125x80xi32, #tpu.memory_space<vmem>> -> memref<1x80xi32, #tpu.memory_space<vmem>>
        %dma_wait3A_177 = tpu.memref_squeeze %dma_wait3A_176 : memref<1x80xi32, #tpu.memory_space<vmem>> -> memref<80xi32, #tpu.memory_space<vmem>>
        %dma_wait3A_178 = arith.constant 0 : i32
        %dma_wait3A_179 = arith.constant 0 : i32
        %dma_wait3A_180 = tpu.memref_slice %arg9[%dma_wait3A_178, %dma_wait3A_179] : memref<1024x128xf32, #tpu.memory_space<vmem_shared>> -> memref<1024x128xf32, #tpu.memory_space<vmem_shared>>
        tpu.wait_indirect_dma semaphore(%run_scoped3A_160 : memref<!tpu.dma_semaphore, #tpu.memory_space<semaphore_mem>>) src(%dma_wait3A_174 : memref<80x128xf32, #tpu.memory_space<vmem>>) dst(%dma_wait3A_180 : memref<1024x128xf32, #tpu.memory_space<vmem_shared>>)
        tpu.yield
      }) : () -> ()
      %dma_start3A_118 = arith.constant 0 : i32
      %dma_start3A_119 = tpu.memref_slice %arg6[%add3A_94, %dma_start3A_118] : memref<125x80xi32, #tpu.memory_space<vmem>> -> memref<1x80xi32, #tpu.memory_space<vmem>>
      %dma_start3A_120 = tpu.memref_squeeze %dma_start3A_119 : memref<1x80xi32, #tpu.memory_space<vmem>> -> memref<80xi32, #tpu.memory_space<vmem>>
      %dma_start3A_121 = arith.constant 0 : i32
      %dma_start3A_122 = arith.constant 0 : i32
      %dma_start3A_123 = tpu.memref_slice %arg10[%dma_start3A_121, %dma_start3A_122] : memref<1024x128xf32, #tpu.memory_space<vmem_shared>> -> memref<1024x128xf32, #tpu.memory_space<vmem_shared>>
      tpu.enqueue_indirect_dma source(%arg8 : memref<80x128xf32, #tpu.memory_space<vmem>>) target(%dma_start3A_123 : memref<1024x128xf32, #tpu.memory_space<vmem_shared>>) offsets(%dma_start3A_120 : memref<80xi32, #tpu.memory_space<vmem>>) semaphore(%arg13 : memref<!tpu.dma_semaphore, #tpu.memory_space<semaphore_mem>>) {add = true}
      %mul3A_124 = arith.constant 2 : i32
      %mul3A_125 = arith.muli %mul3A_124, %scan3A_90 : i32
      %add3A_126 = arith.constant 1 : i32
      %add3A_127 = arith.addi %mul3A_125, %add3A_126 : i32
      %lt3A_128 = arith.constant 124 : i32
      %lt3A_129 = arith.cmpi slt, %add3A_127, %lt3A_128 : i32
      %convert_element_type3A_130 = arith.extui %lt3A_129 : i1 to i32
      %cond3A_131 = arith.constant 0 : i32
      %cond3A_132 = arith.cmpi ne, %convert_element_type3A_130, %cond3A_131 : i32
      scf.if %cond3A_132 {
        %add3A_160 = arith.constant 1 : i32
        %add3A_161 = arith.addi %add3A_127, %add3A_160 : i32
        %mul3A_162 = arith.constant 125 : i32
        %mul3A_163 = arith.muli %add3A, %mul3A_162 : i32
        %add3A_164 = arith.addi %mul3A_163, %add3A_161 : i32
        %dma_start3A_165 = arith.constant 0 : i32
        %dma_start3A_166 = arith.constant 0 : i32
        %dma_start3A_167 = arith.constant 0 : i32
        %dma_start3A_168 = tpu.memref_slice %arg7[%dma_start3A_165, %dma_start3A_166, %dma_start3A_167] : memref<2x80x128xf32, #tpu.memory_space<vmem>> -> memref<1x80x128xf32, #tpu.memory_space<vmem>>
        %dma_start3A_169 = tpu.memref_squeeze %dma_start3A_168 : memref<1x80x128xf32, #tpu.memory_space<vmem>> -> memref<80x128xf32, #tpu.memory_space<vmem>>
        %dma_start3A_170 = arith.constant 0 : i32
        %dma_start3A_171 = arith.constant 0 : i32
        %dma_start3A_172 = tpu.memref_slice %arg2[%add3A_164, %dma_start3A_170, %dma_start3A_171] : memref<4000x80x128xf32, #tpu.memory_space<hbm>> -> memref<1x80x128xf32, #tpu.memory_space<hbm>>
        %dma_start3A_173 = tpu.memref_squeeze %dma_start3A_172 : memref<1x80x128xf32, #tpu.memory_space<hbm>> -> memref<80x128xf32, #tpu.memory_space<hbm>>
        %dma_start3A_174 = arith.constant 0 : i32
        %dma_start3A_175 = arith.constant 0 : i32
        %dma_start3A_176 = tpu.memref_slice %arg7[%dma_start3A_165, %dma_start3A_174, %dma_start3A_175] : memref<2x80x128xf32, #tpu.memory_space<vmem>> -> memref<1x80x128xf32, #tpu.memory_space<vmem>>
        %dma_start3A_177 = tpu.memref_squeeze %dma_start3A_176 : memref<1x80x128xf32, #tpu.memory_space<vmem>> -> memref<80x128xf32, #tpu.memory_space<vmem>>
        %dma_start3A_178 = arith.constant 0 : i32
        %dma_start3A_179 = arith.constant 0 : i32
        %dma_start3A_180 = tpu.memref_slice %arg2[%add3A_164, %dma_start3A_178, %dma_start3A_179] : memref<4000x80x128xf32, #tpu.memory_space<hbm>> -> memref<1x80x128xf32, #tpu.memory_space<hbm>>
        %dma_start3A_181 = tpu.memref_squeeze %dma_start3A_180 : memref<1x80x128xf32, #tpu.memory_space<hbm>> -> memref<80x128xf32, #tpu.memory_space<hbm>>
        tpu.enqueue_dma source(%dma_start3A_181 : memref<80x128xf32, #tpu.memory_space<hbm>>) target(%dma_start3A_177 : memref<80x128xf32, #tpu.memory_space<vmem>>) target_semaphore(%arg11 : memref<!tpu.dma_semaphore, #tpu.memory_space<semaphore_mem>>)
      } else {
      }
      %mul3A_133 = arith.constant 125 : i32
      %mul3A_134 = arith.muli %add3A, %mul3A_133 : i32
      %add3A_135 = arith.addi %mul3A_134, %add3A_127 : i32
      %dma_wait3A_136 = arith.constant 1 : i32
      %dma_wait3A_137 = arith.constant 0 : i32
      %dma_wait3A_138 = arith.constant 0 : i32
      %dma_wait3A_139 = tpu.memref_slice %arg7[%dma_wait3A_136, %dma_wait3A_137, %dma_wait3A_138] : memref<2x80x128xf32, #tpu.memory_space<vmem>> -> memref<1x80x128xf32, #tpu.memory_space<vmem>>
      %dma_wait3A_140 = tpu.memref_squeeze %dma_wait3A_139 : memref<1x80x128xf32, #tpu.memory_space<vmem>> -> memref<80x128xf32, #tpu.memory_space<vmem>>
      %dma_wait3A_141 = arith.constant 0 : i32
      %dma_wait3A_142 = arith.constant 0 : i32
      %dma_wait3A_143 = tpu.memref_slice %arg2[%add3A_135, %dma_wait3A_141, %dma_wait3A_142] : memref<4000x80x128xf32, #tpu.memory_space<hbm>> -> memref<1x80x128xf32, #tpu.memory_space<hbm>>
      %dma_wait3A_144 = tpu.memref_squeeze %dma_wait3A_143 : memref<1x80x128xf32, #tpu.memory_space<hbm>> -> memref<80x128xf32, #tpu.memory_space<hbm>>
      %dma_wait3A_145 = arith.constant 0 : i32
      %dma_wait3A_146 = arith.constant 0 : i32
      %dma_wait3A_147 = tpu.memref_slice %arg7[%dma_wait3A_136, %dma_wait3A_145, %dma_wait3A_146] : memref<2x80x128xf32, #tpu.memory_space<vmem>> -> memref<1x80x128xf32, #tpu.memory_space<vmem>>
      %dma_wait3A_148 = tpu.memref_squeeze %dma_wait3A_147 : memref<1x80x128xf32, #tpu.memory_space<vmem>> -> memref<80x128xf32, #tpu.memory_space<vmem>>
      %dma_wait3A_149 = arith.constant 0 : i32
      %dma_wait3A_150 = arith.constant 0 : i32
      %dma_wait3A_151 = tpu.memref_slice %arg2[%add3A_135, %dma_wait3A_149, %dma_wait3A_150] : memref<4000x80x128xf32, #tpu.memory_space<hbm>> -> memref<1x80x128xf32, #tpu.memory_space<hbm>>
      %dma_wait3A_152 = tpu.memref_squeeze %dma_wait3A_151 : memref<1x80x128xf32, #tpu.memory_space<hbm>> -> memref<80x128xf32, #tpu.memory_space<hbm>>
      tpu.wait_dma2 semaphore(%arg12 : memref<!tpu.dma_semaphore, #tpu.memory_space<semaphore_mem>>) src(%dma_wait3A_152 : memref<80x128xf32, #tpu.memory_space<hbm>>) dst(%dma_wait3A_148 : memref<80x128xf32, #tpu.memory_space<vmem>>)
      %run_scoped3A_153 = arith.constant 1 : i32
      "tpu.region"() ({
        %run_scoped3A_160 = tpu.sem_alloc : memref<!tpu.dma_semaphore, #tpu.memory_space<semaphore_mem>>
        %dma_start3A_161 = arith.constant 0 : i32
        %dma_start3A_162 = arith.constant 0 : i32
        %dma_start3A_163 = tpu.memref_slice %arg7[%run_scoped3A_153, %dma_start3A_161, %dma_start3A_162] : memref<2x80x128xf32, #tpu.memory_space<vmem>> -> memref<1x80x128xf32, #tpu.memory_space<vmem>>
        %dma_start3A_164 = tpu.memref_squeeze %dma_start3A_163 : memref<1x80x128xf32, #tpu.memory_space<vmem>> -> memref<80x128xf32, #tpu.memory_space<vmem>>
        %dma_start3A_165 = arith.constant 0 : i32
        %dma_start3A_166 = tpu.memref_slice %arg6[%add3A_127, %dma_start3A_165] : memref<125x80xi32, #tpu.memory_space<vmem>> -> memref<1x80xi32, #tpu.memory_space<vmem>>
        %dma_start3A_167 = tpu.memref_squeeze %dma_start3A_166 : memref<1x80xi32, #tpu.memory_space<vmem>> -> memref<80xi32, #tpu.memory_space<vmem>>
        %dma_start3A_168 = arith.constant 0 : i32
        %dma_start3A_169 = arith.constant 0 : i32
        %dma_start3A_170 = tpu.memref_slice %arg9[%dma_start3A_168, %dma_start3A_169] : memref<1024x128xf32, #tpu.memory_space<vmem_shared>> -> memref<1024x128xf32, #tpu.memory_space<vmem_shared>>
        tpu.enqueue_indirect_dma source(%dma_start3A_164 : memref<80x128xf32, #tpu.memory_space<vmem>>) target(%dma_start3A_170 : memref<1024x128xf32, #tpu.memory_space<vmem_shared>>) offsets(%dma_start3A_167 : memref<80xi32, #tpu.memory_space<vmem>>) semaphore(%run_scoped3A_160 : memref<!tpu.dma_semaphore, #tpu.memory_space<semaphore_mem>>) {add = true}
        %dma_wait3A_171 = arith.constant 0 : i32
        %dma_wait3A_172 = arith.constant 0 : i32
        %dma_wait3A_173 = tpu.memref_slice %arg7[%run_scoped3A_153, %dma_wait3A_171, %dma_wait3A_172] : memref<2x80x128xf32, #tpu.memory_space<vmem>> -> memref<1x80x128xf32, #tpu.memory_space<vmem>>
        %dma_wait3A_174 = tpu.memref_squeeze %dma_wait3A_173 : memref<1x80x128xf32, #tpu.memory_space<vmem>> -> memref<80x128xf32, #tpu.memory_space<vmem>>
        %dma_wait3A_175 = arith.constant 0 : i32
        %dma_wait3A_176 = tpu.memref_slice %arg6[%add3A_127, %dma_wait3A_175] : memref<125x80xi32, #tpu.memory_space<vmem>> -> memref<1x80xi32, #tpu.memory_space<vmem>>
        %dma_wait3A_177 = tpu.memref_squeeze %dma_wait3A_176 : memref<1x80xi32, #tpu.memory_space<vmem>> -> memref<80xi32, #tpu.memory_space<vmem>>
        %dma_wait3A_178 = arith.constant 0 : i32
        %dma_wait3A_179 = arith.constant 0 : i32
        %dma_wait3A_180 = tpu.memref_slice %arg9[%dma_wait3A_178, %dma_wait3A_179] : memref<1024x128xf32, #tpu.memory_space<vmem_shared>> -> memref<1024x128xf32, #tpu.memory_space<vmem_shared>>
        tpu.wait_indirect_dma semaphore(%run_scoped3A_160 : memref<!tpu.dma_semaphore, #tpu.memory_space<semaphore_mem>>) src(%dma_wait3A_174 : memref<80x128xf32, #tpu.memory_space<vmem>>) dst(%dma_wait3A_180 : memref<1024x128xf32, #tpu.memory_space<vmem_shared>>)
        tpu.yield
      }) : () -> ()
      %dma_start3A_154 = arith.constant 0 : i32
      %dma_start3A_155 = tpu.memref_slice %arg6[%add3A_127, %dma_start3A_154] : memref<125x80xi32, #tpu.memory_space<vmem>> -> memref<1x80xi32, #tpu.memory_space<vmem>>
      %dma_start3A_156 = tpu.memref_squeeze %dma_start3A_155 : memref<1x80xi32, #tpu.memory_space<vmem>> -> memref<80xi32, #tpu.memory_space<vmem>>
      %dma_start3A_157 = arith.constant 0 : i32
      %dma_start3A_158 = arith.constant 0 : i32
      %dma_start3A_159 = tpu.memref_slice %arg10[%dma_start3A_157, %dma_start3A_158] : memref<1024x128xf32, #tpu.memory_space<vmem_shared>> -> memref<1024x128xf32, #tpu.memory_space<vmem_shared>>
      tpu.enqueue_indirect_dma source(%arg8 : memref<80x128xf32, #tpu.memory_space<vmem>>) target(%dma_start3A_159 : memref<1024x128xf32, #tpu.memory_space<vmem_shared>>) offsets(%dma_start3A_156 : memref<80xi32, #tpu.memory_space<vmem>>) semaphore(%arg13 : memref<!tpu.dma_semaphore, #tpu.memory_space<semaphore_mem>>) {add = true}
    }
    %scan3A_45 = arith.constant 62 : i32
    %mul3A_46 = arith.constant 125 : i32
    %mul3A_47 = arith.muli %add3A, %mul3A_46 : i32
    %add3A_48 = arith.constant 124 : i32
    %add3A_49 = arith.addi %mul3A_47, %add3A_48 : i32
    %dma_wait3A = arith.constant 0 : i32
    %dma_wait3A_50 = arith.constant 0 : i32
    %dma_wait3A_51 = arith.constant 0 : i32
    %dma_wait3A_52 = tpu.memref_slice %arg7[%dma_wait3A, %dma_wait3A_50, %dma_wait3A_51] : memref<2x80x128xf32, #tpu.memory_space<vmem>> -> memref<1x80x128xf32, #tpu.memory_space<vmem>>
    %dma_wait3A_53 = tpu.memref_squeeze %dma_wait3A_52 : memref<1x80x128xf32, #tpu.memory_space<vmem>> -> memref<80x128xf32, #tpu.memory_space<vmem>>
    %dma_wait3A_54 = arith.constant 0 : i32
    %dma_wait3A_55 = arith.constant 0 : i32
    %dma_wait3A_56 = tpu.memref_slice %arg2[%add3A_49, %dma_wait3A_54, %dma_wait3A_55] : memref<4000x80x128xf32, #tpu.memory_space<hbm>> -> memref<1x80x128xf32, #tpu.memory_space<hbm>>
    %dma_wait3A_57 = tpu.memref_squeeze %dma_wait3A_56 : memref<1x80x128xf32, #tpu.memory_space<hbm>> -> memref<80x128xf32, #tpu.memory_space<hbm>>
    %dma_wait3A_58 = arith.constant 0 : i32
    %dma_wait3A_59 = arith.constant 0 : i32
    %dma_wait3A_60 = tpu.memref_slice %arg7[%dma_wait3A, %dma_wait3A_58, %dma_wait3A_59] : memref<2x80x128xf32, #tpu.memory_space<vmem>> -> memref<1x80x128xf32, #tpu.memory_space<vmem>>
    %dma_wait3A_61 = tpu.memref_squeeze %dma_wait3A_60 : memref<1x80x128xf32, #tpu.memory_space<vmem>> -> memref<80x128xf32, #tpu.memory_space<vmem>>
    %dma_wait3A_62 = arith.constant 0 : i32
    %dma_wait3A_63 = arith.constant 0 : i32
    %dma_wait3A_64 = tpu.memref_slice %arg2[%add3A_49, %dma_wait3A_62, %dma_wait3A_63] : memref<4000x80x128xf32, #tpu.memory_space<hbm>> -> memref<1x80x128xf32, #tpu.memory_space<hbm>>
    %dma_wait3A_65 = tpu.memref_squeeze %dma_wait3A_64 : memref<1x80x128xf32, #tpu.memory_space<hbm>> -> memref<80x128xf32, #tpu.memory_space<hbm>>
    tpu.wait_dma2 semaphore(%arg11 : memref<!tpu.dma_semaphore, #tpu.memory_space<semaphore_mem>>) src(%dma_wait3A_65 : memref<80x128xf32, #tpu.memory_space<hbm>>) dst(%dma_wait3A_61 : memref<80x128xf32, #tpu.memory_space<vmem>>)
    %run_scoped3A_66 = arith.constant 0 : i32
    %run_scoped3A_67 = arith.constant 124 : i32
    "tpu.region"() ({
      %run_scoped3A_90 = tpu.sem_alloc : memref<!tpu.dma_semaphore, #tpu.memory_space<semaphore_mem>>
      %dma_start3A_91 = arith.constant 0 : i32
      %dma_start3A_92 = arith.constant 0 : i32
      %dma_start3A_93 = tpu.memref_slice %arg7[%run_scoped3A_66, %dma_start3A_91, %dma_start3A_92] : memref<2x80x128xf32, #tpu.memory_space<vmem>> -> memref<1x80x128xf32, #tpu.memory_space<vmem>>
      %dma_start3A_94 = tpu.memref_squeeze %dma_start3A_93 : memref<1x80x128xf32, #tpu.memory_space<vmem>> -> memref<80x128xf32, #tpu.memory_space<vmem>>
      %dma_start3A_95 = arith.constant 0 : i32
      %dma_start3A_96 = tpu.memref_slice %arg6[%run_scoped3A_67, %dma_start3A_95] : memref<125x80xi32, #tpu.memory_space<vmem>> -> memref<1x80xi32, #tpu.memory_space<vmem>>
      %dma_start3A_97 = tpu.memref_squeeze %dma_start3A_96 : memref<1x80xi32, #tpu.memory_space<vmem>> -> memref<80xi32, #tpu.memory_space<vmem>>
      %dma_start3A_98 = arith.constant 0 : i32
      %dma_start3A_99 = arith.constant 0 : i32
      %dma_start3A_100 = tpu.memref_slice %arg9[%dma_start3A_98, %dma_start3A_99] : memref<1024x128xf32, #tpu.memory_space<vmem_shared>> -> memref<1024x128xf32, #tpu.memory_space<vmem_shared>>
      tpu.enqueue_indirect_dma source(%dma_start3A_94 : memref<80x128xf32, #tpu.memory_space<vmem>>) target(%dma_start3A_100 : memref<1024x128xf32, #tpu.memory_space<vmem_shared>>) offsets(%dma_start3A_97 : memref<80xi32, #tpu.memory_space<vmem>>) semaphore(%run_scoped3A_90 : memref<!tpu.dma_semaphore, #tpu.memory_space<semaphore_mem>>) {add = true}
      %dma_wait3A_101 = arith.constant 0 : i32
      %dma_wait3A_102 = arith.constant 0 : i32
      %dma_wait3A_103 = tpu.memref_slice %arg7[%run_scoped3A_66, %dma_wait3A_101, %dma_wait3A_102] : memref<2x80x128xf32, #tpu.memory_space<vmem>> -> memref<1x80x128xf32, #tpu.memory_space<vmem>>
      %dma_wait3A_104 = tpu.memref_squeeze %dma_wait3A_103 : memref<1x80x128xf32, #tpu.memory_space<vmem>> -> memref<80x128xf32, #tpu.memory_space<vmem>>
      %dma_wait3A_105 = arith.constant 0 : i32
      %dma_wait3A_106 = tpu.memref_slice %arg6[%run_scoped3A_67, %dma_wait3A_105] : memref<125x80xi32, #tpu.memory_space<vmem>> -> memref<1x80xi32, #tpu.memory_space<vmem>>
      %dma_wait3A_107 = tpu.memref_squeeze %dma_wait3A_106 : memref<1x80xi32, #tpu.memory_space<vmem>> -> memref<80xi32, #tpu.memory_space<vmem>>
      %dma_wait3A_108 = arith.constant 0 : i32
      %dma_wait3A_109 = arith.constant 0 : i32
      %dma_wait3A_110 = tpu.memref_slice %arg9[%dma_wait3A_108, %dma_wait3A_109] : memref<1024x128xf32, #tpu.memory_space<vmem_shared>> -> memref<1024x128xf32, #tpu.memory_space<vmem_shared>>
      tpu.wait_indirect_dma semaphore(%run_scoped3A_90 : memref<!tpu.dma_semaphore, #tpu.memory_space<semaphore_mem>>) src(%dma_wait3A_104 : memref<80x128xf32, #tpu.memory_space<vmem>>) dst(%dma_wait3A_110 : memref<1024x128xf32, #tpu.memory_space<vmem_shared>>)
      tpu.yield
    }) : () -> ()
    %dma_start3A_68 = arith.constant 124 : i32
    %dma_start3A_69 = arith.constant 0 : i32
    %dma_start3A_70 = tpu.memref_slice %arg6[%dma_start3A_68, %dma_start3A_69] : memref<125x80xi32, #tpu.memory_space<vmem>> -> memref<1x80xi32, #tpu.memory_space<vmem>>
    %dma_start3A_71 = tpu.memref_squeeze %dma_start3A_70 : memref<1x80xi32, #tpu.memory_space<vmem>> -> memref<80xi32, #tpu.memory_space<vmem>>
    %dma_start3A_72 = arith.constant 0 : i32
    %dma_start3A_73 = arith.constant 0 : i32
    %dma_start3A_74 = tpu.memref_slice %arg10[%dma_start3A_72, %dma_start3A_73] : memref<1024x128xf32, #tpu.memory_space<vmem_shared>> -> memref<1024x128xf32, #tpu.memory_space<vmem_shared>>
    tpu.enqueue_indirect_dma source(%arg8 : memref<80x128xf32, #tpu.memory_space<vmem>>) target(%dma_start3A_74 : memref<1024x128xf32, #tpu.memory_space<vmem_shared>>) offsets(%dma_start3A_71 : memref<80xi32, #tpu.memory_space<vmem>>) semaphore(%arg13 : memref<!tpu.dma_semaphore, #tpu.memory_space<semaphore_mem>>) {add = true}
    %scan3A_75 = arith.constant 0 : i32
    %scan3A_76 = arith.constant 0 : i32
    %scan3A_77 = arith.constant 125 : i32
    %scan3A_78 = arith.addi %scan3A_76, %scan3A_77 : i32
    %scan3A_79 = arith.constant 1 : i32
    scf.for %scan3A_90 = %scan3A_76 to %scan3A_78 step %scan3A_79  : i32 {
      %dma_wait3A_91 = arith.constant 0 : i32
      %dma_wait3A_92 = tpu.memref_slice %arg6[%scan3A_90, %dma_wait3A_91] : memref<125x80xi32, #tpu.memory_space<vmem>> -> memref<1x80xi32, #tpu.memory_space<vmem>>
      %dma_wait3A_93 = tpu.memref_squeeze %dma_wait3A_92 : memref<1x80xi32, #tpu.memory_space<vmem>> -> memref<80xi32, #tpu.memory_space<vmem>>
      %dma_wait3A_94 = arith.constant 0 : i32
      %dma_wait3A_95 = arith.constant 0 : i32
      %dma_wait3A_96 = tpu.memref_slice %arg10[%dma_wait3A_94, %dma_wait3A_95] : memref<1024x128xf32, #tpu.memory_space<vmem_shared>> -> memref<1024x128xf32, #tpu.memory_space<vmem_shared>>
      tpu.wait_indirect_dma semaphore(%arg13 : memref<!tpu.dma_semaphore, #tpu.memory_space<semaphore_mem>>) src(%arg8 : memref<80x128xf32, #tpu.memory_space<vmem>>) dst(%dma_wait3A_96 : memref<1024x128xf32, #tpu.memory_space<vmem_shared>>)
    }
    %scan3A_80 = arith.constant 125 : i32
    %barrier3A_81 = arith.constant 0 : index
    tpu.barrier barrier_id(%barrier3A_81)
    %mul3A_82 = arith.constant 64 : i32
    %mul3A_83 = arith.muli %arg1, %mul3A_82 : i32
    %mul3A_84 = arith.constant 64 : i32
    %mul3A_85 = arith.muli %arg1, %mul3A_84 : i32
    "tpu.region"() ({
      %run_scoped3A_90 = tpu.sem_alloc : memref<!tpu.dma_semaphore, #tpu.memory_space<semaphore_mem>>
      %dma_start3A_91 = arith.constant 0 : i32
      %dma_start3A_92 = arith.constant 0 : i32
      %dma_start3A_93 = tpu.memref_slice %arg4[%arg0, %dma_start3A_91, %dma_start3A_92] : memref<2x1024x128xf32, #tpu.memory_space<hbm>> -> memref<1x1024x128xf32, #tpu.memory_space<hbm>>
      %dma_start3A_94 = tpu.memref_squeeze %dma_start3A_93 : memref<1x1024x128xf32, #tpu.memory_space<hbm>> -> memref<1024x128xf32, #tpu.memory_space<hbm>>
      %dma_start3A_95 = arith.constant 0 : i32
      %dma_start3A_96 = tpu.memref_slice %dma_start3A_94[%mul3A_85, %dma_start3A_95] : memref<1024x128xf32, #tpu.memory_space<hbm>> -> memref<64x128xf32, #tpu.memory_space<hbm>>
      %dma_start3A_97 = arith.constant 0 : i32
      %dma_start3A_98 = tpu.memref_slice %arg9[%mul3A_83, %dma_start3A_97] : memref<1024x128xf32, #tpu.memory_space<vmem_shared>> -> memref<64x128xf32, #tpu.memory_space<vmem_shared>>
      tpu.enqueue_dma source(%dma_start3A_98 : memref<64x128xf32, #tpu.memory_space<vmem_shared>>) target(%dma_start3A_96 : memref<64x128xf32, #tpu.memory_space<hbm>>) target_semaphore(%run_scoped3A_90 : memref<!tpu.dma_semaphore, #tpu.memory_space<semaphore_mem>>)
      %dma_wait3A_99 = arith.constant 0 : i32
      %dma_wait3A_100 = arith.constant 0 : i32
      %dma_wait3A_101 = tpu.memref_slice %arg4[%arg0, %dma_wait3A_99, %dma_wait3A_100] : memref<2x1024x128xf32, #tpu.memory_space<hbm>> -> memref<1x1024x128xf32, #tpu.memory_space<hbm>>
      %dma_wait3A_102 = tpu.memref_squeeze %dma_wait3A_101 : memref<1x1024x128xf32, #tpu.memory_space<hbm>> -> memref<1024x128xf32, #tpu.memory_space<hbm>>
      %dma_wait3A_103 = arith.constant 0 : i32
      %dma_wait3A_104 = tpu.memref_slice %dma_wait3A_102[%mul3A_85, %dma_wait3A_103] : memref<1024x128xf32, #tpu.memory_space<hbm>> -> memref<64x128xf32, #tpu.memory_space<hbm>>
      %dma_wait3A_105 = arith.constant 0 : i32
      %dma_wait3A_106 = tpu.memref_slice %arg9[%mul3A_83, %dma_wait3A_105] : memref<1024x128xf32, #tpu.memory_space<vmem_shared>> -> memref<64x128xf32, #tpu.memory_space<vmem_shared>>
      tpu.wait_dma2 semaphore(%run_scoped3A_90 : memref<!tpu.dma_semaphore, #tpu.memory_space<semaphore_mem>>) src(%dma_wait3A_106 : memref<64x128xf32, #tpu.memory_space<vmem_shared>>) dst(%dma_wait3A_104 : memref<64x128xf32, #tpu.memory_space<hbm>>)
      tpu.yield
    }) : () -> ()
    %mul3A_86 = arith.constant 64 : i32
    %mul3A_87 = arith.muli %arg1, %mul3A_86 : i32
    %mul3A_88 = arith.constant 64 : i32
    %mul3A_89 = arith.muli %arg1, %mul3A_88 : i32
    "tpu.region"() ({
      %run_scoped3A_90 = tpu.sem_alloc : memref<!tpu.dma_semaphore, #tpu.memory_space<semaphore_mem>>
      %dma_start3A_91 = arith.constant 0 : i32
      %dma_start3A_92 = arith.constant 0 : i32
      %dma_start3A_93 = tpu.memref_slice %arg5[%arg0, %dma_start3A_91, %dma_start3A_92] : memref<2x1024x128xf32, #tpu.memory_space<hbm>> -> memref<1x1024x128xf32, #tpu.memory_space<hbm>>
      %dma_start3A_94 = tpu.memref_squeeze %dma_start3A_93 : memref<1x1024x128xf32, #tpu.memory_space<hbm>> -> memref<1024x128xf32, #tpu.memory_space<hbm>>
      %dma_start3A_95 = arith.constant 0 : i32
      %dma_start3A_96 = tpu.memref_slice %dma_start3A_94[%mul3A_89, %dma_start3A_95] : memref<1024x128xf32, #tpu.memory_space<hbm>> -> memref<64x128xf32, #tpu.memory_space<hbm>>
      %dma_start3A_97 = arith.constant 0 : i32
      %dma_start3A_98 = tpu.memref_slice %arg10[%mul3A_87, %dma_start3A_97] : memref<1024x128xf32, #tpu.memory_space<vmem_shared>> -> memref<64x128xf32, #tpu.memory_space<vmem_shared>>
      tpu.enqueue_dma source(%dma_start3A_98 : memref<64x128xf32, #tpu.memory_space<vmem_shared>>) target(%dma_start3A_96 : memref<64x128xf32, #tpu.memory_space<hbm>>) target_semaphore(%run_scoped3A_90 : memref<!tpu.dma_semaphore, #tpu.memory_space<semaphore_mem>>)
      %dma_wait3A_99 = arith.constant 0 : i32
      %dma_wait3A_100 = arith.constant 0 : i32
      %dma_wait3A_101 = tpu.memref_slice %arg5[%arg0, %dma_wait3A_99, %dma_wait3A_100] : memref<2x1024x128xf32, #tpu.memory_space<hbm>> -> memref<1x1024x128xf32, #tpu.memory_space<hbm>>
      %dma_wait3A_102 = tpu.memref_squeeze %dma_wait3A_101 : memref<1x1024x128xf32, #tpu.memory_space<hbm>> -> memref<1024x128xf32, #tpu.memory_space<hbm>>
      %dma_wait3A_103 = arith.constant 0 : i32
      %dma_wait3A_104 = tpu.memref_slice %dma_wait3A_102[%mul3A_89, %dma_wait3A_103] : memref<1024x128xf32, #tpu.memory_space<hbm>> -> memref<64x128xf32, #tpu.memory_space<hbm>>
      %dma_wait3A_105 = arith.constant 0 : i32
      %dma_wait3A_106 = tpu.memref_slice %arg10[%mul3A_87, %dma_wait3A_105] : memref<1024x128xf32, #tpu.memory_space<vmem_shared>> -> memref<64x128xf32, #tpu.memory_space<vmem_shared>>
      tpu.wait_dma2 semaphore(%run_scoped3A_90 : memref<!tpu.dma_semaphore, #tpu.memory_space<semaphore_mem>>) src(%dma_wait3A_106 : memref<64x128xf32, #tpu.memory_space<vmem_shared>>) dst(%dma_wait3A_104 : memref<64x128xf32, #tpu.memory_space<hbm>>)
      tpu.yield
    }) : () -> ()
    return
  }
}

#map = affine_map<(d0, d1) -> (0, 0, 0)>
#map1 = affine_map<(d0, d1) -> (0, 0)>
module attributes {stable_mosaic.version = 14 : i64} {
  func.func @_gatemul_kernel(%arg0: i32, %arg1: i32, %arg2: memref<4000x80x128xf32, #tpu.memory_space<hbm>>, %arg3: memref<32x125x80xi32, #tpu.memory_space<hbm>>, %arg4: memref<1024x128xf32, #tpu.memory_space<hbm>>, %arg5: memref<4000x80x128xf32, #tpu.memory_space<hbm>>, %arg6: memref<125x80xi32, #tpu.memory_space<vmem>>, %arg7: memref<2x80x128xf32, #tpu.memory_space<vmem>>, %arg8: memref<2x80x128xf32, #tpu.memory_space<vmem>>, %arg9: memref<1024x128xf32, #tpu.memory_space<vmem_shared>>, %arg10: memref<!tpu.dma_semaphore, #tpu.memory_space<semaphore_mem>>, %arg11: memref<!tpu.dma_semaphore, #tpu.memory_space<semaphore_mem>>, %arg12: memref<!tpu.dma_semaphore, #tpu.memory_space<semaphore_mem>>, %arg13: memref<!tpu.dma_semaphore, #tpu.memory_space<semaphore_mem>>, %arg14: memref<!tpu.dma_semaphore, #tpu.memory_space<semaphore_mem>>, %arg15: memref<!tpu.dma_semaphore, #tpu.memory_space<semaphore_mem>>) attributes {dimension_semantics = [#tpu.dimension_semantics<core_parallel>, #tpu.dimension_semantics<subcore_parallel>], iteration_bounds = array<i64: 2, 16>, scalar_prefetch = 0 : i64, scratch_operands = 10 : i64, tpu.core_type = #tpu.core_type<sc_vector_subcore>, window_params = [{transform_indices = #map}, {transform_indices = #map}, {transform_indices = #map1}, {transform_indices = #map}]} {
    %mul3A = arith.constant 2 : i32
    %mul3A_0 = arith.muli %arg1, %mul3A : i32
    %add3A = arith.addi %mul3A_0, %arg0 : i32
    %mul3A_1 = arith.constant 125 : i32
    %mul3A_2 = arith.muli %add3A, %mul3A_1 : i32
    %add3A_3 = arith.constant 0 : i32
    %add3A_4 = arith.addi %mul3A_2, %add3A_3 : i32
    %dma_start3A = arith.constant 0 : i32
    %dma_start3A_5 = arith.constant 0 : i32
    %dma_start3A_6 = arith.constant 0 : i32
    %dma_start3A_7 = tpu.memref_slice %arg7[%dma_start3A, %dma_start3A_5, %dma_start3A_6] : memref<2x80x128xf32, #tpu.memory_space<vmem>> -> memref<1x80x128xf32, #tpu.memory_space<vmem>>
    %dma_start3A_8 = tpu.memref_squeeze %dma_start3A_7 : memref<1x80x128xf32, #tpu.memory_space<vmem>> -> memref<80x128xf32, #tpu.memory_space<vmem>>
    %dma_start3A_9 = arith.constant 0 : i32
    %dma_start3A_10 = arith.constant 0 : i32
    %dma_start3A_11 = tpu.memref_slice %arg2[%add3A_4, %dma_start3A_9, %dma_start3A_10] : memref<4000x80x128xf32, #tpu.memory_space<hbm>> -> memref<1x80x128xf32, #tpu.memory_space<hbm>>
    %dma_start3A_12 = tpu.memref_squeeze %dma_start3A_11 : memref<1x80x128xf32, #tpu.memory_space<hbm>> -> memref<80x128xf32, #tpu.memory_space<hbm>>
    %dma_start3A_13 = arith.constant 0 : i32
    %dma_start3A_14 = arith.constant 0 : i32
    %dma_start3A_15 = tpu.memref_slice %arg7[%dma_start3A, %dma_start3A_13, %dma_start3A_14] : memref<2x80x128xf32, #tpu.memory_space<vmem>> -> memref<1x80x128xf32, #tpu.memory_space<vmem>>
    %dma_start3A_16 = tpu.memref_squeeze %dma_start3A_15 : memref<1x80x128xf32, #tpu.memory_space<vmem>> -> memref<80x128xf32, #tpu.memory_space<vmem>>
    %dma_start3A_17 = arith.constant 0 : i32
    %dma_start3A_18 = arith.constant 0 : i32
    %dma_start3A_19 = tpu.memref_slice %arg2[%add3A_4, %dma_start3A_17, %dma_start3A_18] : memref<4000x80x128xf32, #tpu.memory_space<hbm>> -> memref<1x80x128xf32, #tpu.memory_space<hbm>>
    %dma_start3A_20 = tpu.memref_squeeze %dma_start3A_19 : memref<1x80x128xf32, #tpu.memory_space<hbm>> -> memref<80x128xf32, #tpu.memory_space<hbm>>
    tpu.enqueue_dma source(%dma_start3A_20 : memref<80x128xf32, #tpu.memory_space<hbm>>) target(%dma_start3A_16 : memref<80x128xf32, #tpu.memory_space<vmem>>) target_semaphore(%arg10 : memref<!tpu.dma_semaphore, #tpu.memory_space<semaphore_mem>>)
    "tpu.region"() ({
      %run_scoped3A = tpu.sem_alloc : memref<!tpu.dma_semaphore, #tpu.memory_space<semaphore_mem>>
      %dma_start3A_143 = arith.constant 0 : i32
      %dma_start3A_144 = arith.constant 0 : i32
      %dma_start3A_145 = tpu.memref_slice %arg3[%add3A, %dma_start3A_143, %dma_start3A_144] : memref<32x125x80xi32, #tpu.memory_space<hbm>> -> memref<1x125x80xi32, #tpu.memory_space<hbm>>
      %dma_start3A_146 = tpu.memref_squeeze %dma_start3A_145 : memref<1x125x80xi32, #tpu.memory_space<hbm>> -> memref<125x80xi32, #tpu.memory_space<hbm>>
      %dma_start3A_147 = arith.constant 0 : i32
      %dma_start3A_148 = arith.constant 0 : i32
      %dma_start3A_149 = tpu.memref_slice %arg3[%add3A, %dma_start3A_147, %dma_start3A_148] : memref<32x125x80xi32, #tpu.memory_space<hbm>> -> memref<1x125x80xi32, #tpu.memory_space<hbm>>
      %dma_start3A_150 = tpu.memref_squeeze %dma_start3A_149 : memref<1x125x80xi32, #tpu.memory_space<hbm>> -> memref<125x80xi32, #tpu.memory_space<hbm>>
      tpu.enqueue_dma source(%dma_start3A_150 : memref<125x80xi32, #tpu.memory_space<hbm>>) target(%arg6 : memref<125x80xi32, #tpu.memory_space<vmem>>) target_semaphore(%run_scoped3A : memref<!tpu.dma_semaphore, #tpu.memory_space<semaphore_mem>>)
      %dma_wait3A_151 = arith.constant 0 : i32
      %dma_wait3A_152 = arith.constant 0 : i32
      %dma_wait3A_153 = tpu.memref_slice %arg3[%add3A, %dma_wait3A_151, %dma_wait3A_152] : memref<32x125x80xi32, #tpu.memory_space<hbm>> -> memref<1x125x80xi32, #tpu.memory_space<hbm>>
      %dma_wait3A_154 = tpu.memref_squeeze %dma_wait3A_153 : memref<1x125x80xi32, #tpu.memory_space<hbm>> -> memref<125x80xi32, #tpu.memory_space<hbm>>
      %dma_wait3A_155 = arith.constant 0 : i32
      %dma_wait3A_156 = arith.constant 0 : i32
      %dma_wait3A_157 = tpu.memref_slice %arg3[%add3A, %dma_wait3A_155, %dma_wait3A_156] : memref<32x125x80xi32, #tpu.memory_space<hbm>> -> memref<1x125x80xi32, #tpu.memory_space<hbm>>
      %dma_wait3A_158 = tpu.memref_squeeze %dma_wait3A_157 : memref<1x125x80xi32, #tpu.memory_space<hbm>> -> memref<125x80xi32, #tpu.memory_space<hbm>>
      tpu.wait_dma2 semaphore(%run_scoped3A : memref<!tpu.dma_semaphore, #tpu.memory_space<semaphore_mem>>) src(%dma_wait3A_158 : memref<125x80xi32, #tpu.memory_space<hbm>>) dst(%arg6 : memref<125x80xi32, #tpu.memory_space<vmem>>)
      tpu.yield
    }) : () -> ()
    %mul3A_21 = arith.constant 64 : i32
    %mul3A_22 = arith.muli %arg1, %mul3A_21 : i32
    %mul3A_23 = arith.constant 64 : i32
    %mul3A_24 = arith.muli %arg1, %mul3A_23 : i32
    "tpu.region"() ({
      %run_scoped3A = tpu.sem_alloc : memref<!tpu.dma_semaphore, #tpu.memory_space<semaphore_mem>>
      %dma_start3A_143 = arith.constant 0 : i32
      %dma_start3A_144 = tpu.memref_slice %arg9[%mul3A_24, %dma_start3A_143] : memref<1024x128xf32, #tpu.memory_space<vmem_shared>> -> memref<64x128xf32, #tpu.memory_space<vmem_shared>>
      %dma_start3A_145 = arith.constant 0 : i32
      %dma_start3A_146 = tpu.memref_slice %arg4[%mul3A_22, %dma_start3A_145] : memref<1024x128xf32, #tpu.memory_space<hbm>> -> memref<64x128xf32, #tpu.memory_space<hbm>>
      tpu.enqueue_dma source(%dma_start3A_146 : memref<64x128xf32, #tpu.memory_space<hbm>>) target(%dma_start3A_144 : memref<64x128xf32, #tpu.memory_space<vmem_shared>>) target_semaphore(%run_scoped3A : memref<!tpu.dma_semaphore, #tpu.memory_space<semaphore_mem>>)
      %dma_wait3A_147 = arith.constant 0 : i32
      %dma_wait3A_148 = tpu.memref_slice %arg9[%mul3A_24, %dma_wait3A_147] : memref<1024x128xf32, #tpu.memory_space<vmem_shared>> -> memref<64x128xf32, #tpu.memory_space<vmem_shared>>
      %dma_wait3A_149 = arith.constant 0 : i32
      %dma_wait3A_150 = tpu.memref_slice %arg4[%mul3A_22, %dma_wait3A_149] : memref<1024x128xf32, #tpu.memory_space<hbm>> -> memref<64x128xf32, #tpu.memory_space<hbm>>
      tpu.wait_dma2 semaphore(%run_scoped3A : memref<!tpu.dma_semaphore, #tpu.memory_space<semaphore_mem>>) src(%dma_wait3A_150 : memref<64x128xf32, #tpu.memory_space<hbm>>) dst(%dma_wait3A_148 : memref<64x128xf32, #tpu.memory_space<vmem_shared>>)
      tpu.yield
    }) : () -> ()
    %barrier3A = arith.constant 0 : index
    tpu.barrier barrier_id(%barrier3A)
    %dma_start3A_25 = arith.constant 0 : i32
    %dma_start3A_26 = arith.constant 0 : i32
    %dma_start3A_27 = arith.constant 0 : i32
    %dma_start3A_28 = arith.constant 0 : i32
    %dma_start3A_29 = tpu.memref_slice %arg8[%dma_start3A_26, %dma_start3A_27, %dma_start3A_28] : memref<2x80x128xf32, #tpu.memory_space<vmem>> -> memref<1x80x128xf32, #tpu.memory_space<vmem>>
    %dma_start3A_30 = tpu.memref_squeeze %dma_start3A_29 : memref<1x80x128xf32, #tpu.memory_space<vmem>> -> memref<80x128xf32, #tpu.memory_space<vmem>>
    %dma_start3A_31 = arith.constant 0 : i32
    %dma_start3A_32 = tpu.memref_slice %arg6[%dma_start3A_25, %dma_start3A_31] : memref<125x80xi32, #tpu.memory_space<vmem>> -> memref<1x80xi32, #tpu.memory_space<vmem>>
    %dma_start3A_33 = tpu.memref_squeeze %dma_start3A_32 : memref<1x80xi32, #tpu.memory_space<vmem>> -> memref<80xi32, #tpu.memory_space<vmem>>
    %dma_start3A_34 = arith.constant 0 : i32
    %dma_start3A_35 = arith.constant 0 : i32
    %dma_start3A_36 = tpu.memref_slice %arg9[%dma_start3A_34, %dma_start3A_35] : memref<1024x128xf32, #tpu.memory_space<vmem_shared>> -> memref<1024x128xf32, #tpu.memory_space<vmem_shared>>
    tpu.enqueue_indirect_dma source(%dma_start3A_36 : memref<1024x128xf32, #tpu.memory_space<vmem_shared>>) target(%dma_start3A_30 : memref<80x128xf32, #tpu.memory_space<vmem>>) offsets(%dma_start3A_33 : memref<80xi32, #tpu.memory_space<vmem>>) semaphore(%arg12 : memref<!tpu.dma_semaphore, #tpu.memory_space<semaphore_mem>>)
    %scan3A = arith.constant 0 : i32
    %scan3A_37 = arith.constant 0 : i32
    %scan3A_38 = arith.constant 62 : i32
    %scan3A_39 = arith.addi %scan3A_37, %scan3A_38 : i32
    %scan3A_40 = arith.constant 1 : i32
    scf.for %scan3A_143 = %scan3A_37 to %scan3A_39 step %scan3A_40  : i32 {
      %mul3A_144 = arith.constant 2 : i32
      %mul3A_145 = arith.muli %mul3A_144, %scan3A_143 : i32
      %add3A_146 = arith.constant 0 : i32
      %add3A_147 = arith.addi %mul3A_145, %add3A_146 : i32
      %gt3A = arith.constant 0 : i32
      %gt3A_148 = arith.cmpi sgt, %add3A_147, %gt3A : i32
      %convert_element_type3A = arith.extui %gt3A_148 : i1 to i32
      %cond3A = arith.constant 0 : i32
      %cond3A_149 = arith.cmpi ne, %convert_element_type3A, %cond3A : i32
      scf.if %cond3A_149 {
        %sub3A = arith.constant 1 : i32
        %sub3A_282 = arith.subi %add3A_147, %sub3A : i32
        %mul3A_283 = arith.constant 125 : i32
        %mul3A_284 = arith.muli %add3A, %mul3A_283 : i32
        %add3A_285 = arith.addi %mul3A_284, %sub3A_282 : i32
        %dma_wait3A_286 = arith.constant 1 : i32
        %dma_wait3A_287 = arith.constant 0 : i32
        %dma_wait3A_288 = arith.constant 0 : i32
        %dma_wait3A_289 = tpu.memref_slice %arg7[%dma_wait3A_286, %dma_wait3A_287, %dma_wait3A_288] : memref<2x80x128xf32, #tpu.memory_space<vmem>> -> memref<1x80x128xf32, #tpu.memory_space<vmem>>
        %dma_wait3A_290 = tpu.memref_squeeze %dma_wait3A_289 : memref<1x80x128xf32, #tpu.memory_space<vmem>> -> memref<80x128xf32, #tpu.memory_space<vmem>>
        %dma_wait3A_291 = arith.constant 0 : i32
        %dma_wait3A_292 = arith.constant 0 : i32
        %dma_wait3A_293 = tpu.memref_slice %arg5[%add3A_285, %dma_wait3A_291, %dma_wait3A_292] : memref<4000x80x128xf32, #tpu.memory_space<hbm>> -> memref<1x80x128xf32, #tpu.memory_space<hbm>>
        %dma_wait3A_294 = tpu.memref_squeeze %dma_wait3A_293 : memref<1x80x128xf32, #tpu.memory_space<hbm>> -> memref<80x128xf32, #tpu.memory_space<hbm>>
        %dma_wait3A_295 = arith.constant 0 : i32
        %dma_wait3A_296 = arith.constant 0 : i32
        %dma_wait3A_297 = tpu.memref_slice %arg5[%add3A_285, %dma_wait3A_295, %dma_wait3A_296] : memref<4000x80x128xf32, #tpu.memory_space<hbm>> -> memref<1x80x128xf32, #tpu.memory_space<hbm>>
        %dma_wait3A_298 = tpu.memref_squeeze %dma_wait3A_297 : memref<1x80x128xf32, #tpu.memory_space<hbm>> -> memref<80x128xf32, #tpu.memory_space<hbm>>
        %dma_wait3A_299 = arith.constant 0 : i32
        %dma_wait3A_300 = arith.constant 0 : i32
        %dma_wait3A_301 = tpu.memref_slice %arg7[%dma_wait3A_286, %dma_wait3A_299, %dma_wait3A_300] : memref<2x80x128xf32, #tpu.memory_space<vmem>> -> memref<1x80x128xf32, #tpu.memory_space<vmem>>
        %dma_wait3A_302 = tpu.memref_squeeze %dma_wait3A_301 : memref<1x80x128xf32, #tpu.memory_space<vmem>> -> memref<80x128xf32, #tpu.memory_space<vmem>>
        tpu.wait_dma2 semaphore(%arg15 : memref<!tpu.dma_semaphore, #tpu.memory_space<semaphore_mem>>) src(%dma_wait3A_302 : memref<80x128xf32, #tpu.memory_space<vmem>>) dst(%dma_wait3A_298 : memref<80x128xf32, #tpu.memory_space<hbm>>)
      } else {
      }
      %lt3A = arith.constant 124 : i32
      %lt3A_150 = arith.cmpi slt, %add3A_147, %lt3A : i32
      %convert_element_type3A_151 = arith.extui %lt3A_150 : i1 to i32
      %cond3A_152 = arith.constant 0 : i32
      %cond3A_153 = arith.cmpi ne, %convert_element_type3A_151, %cond3A_152 : i32
      scf.if %cond3A_153 {
        %add3A_282 = arith.constant 1 : i32
        %add3A_283 = arith.addi %add3A_147, %add3A_282 : i32
        %mul3A_284 = arith.constant 125 : i32
        %mul3A_285 = arith.muli %add3A, %mul3A_284 : i32
        %add3A_286 = arith.addi %mul3A_285, %add3A_283 : i32
        %dma_start3A_287 = arith.constant 1 : i32
        %dma_start3A_288 = arith.constant 0 : i32
        %dma_start3A_289 = arith.constant 0 : i32
        %dma_start3A_290 = tpu.memref_slice %arg7[%dma_start3A_287, %dma_start3A_288, %dma_start3A_289] : memref<2x80x128xf32, #tpu.memory_space<vmem>> -> memref<1x80x128xf32, #tpu.memory_space<vmem>>
        %dma_start3A_291 = tpu.memref_squeeze %dma_start3A_290 : memref<1x80x128xf32, #tpu.memory_space<vmem>> -> memref<80x128xf32, #tpu.memory_space<vmem>>
        %dma_start3A_292 = arith.constant 0 : i32
        %dma_start3A_293 = arith.constant 0 : i32
        %dma_start3A_294 = tpu.memref_slice %arg2[%add3A_286, %dma_start3A_292, %dma_start3A_293] : memref<4000x80x128xf32, #tpu.memory_space<hbm>> -> memref<1x80x128xf32, #tpu.memory_space<hbm>>
        %dma_start3A_295 = tpu.memref_squeeze %dma_start3A_294 : memref<1x80x128xf32, #tpu.memory_space<hbm>> -> memref<80x128xf32, #tpu.memory_space<hbm>>
        %dma_start3A_296 = arith.constant 0 : i32
        %dma_start3A_297 = arith.constant 0 : i32
        %dma_start3A_298 = tpu.memref_slice %arg7[%dma_start3A_287, %dma_start3A_296, %dma_start3A_297] : memref<2x80x128xf32, #tpu.memory_space<vmem>> -> memref<1x80x128xf32, #tpu.memory_space<vmem>>
        %dma_start3A_299 = tpu.memref_squeeze %dma_start3A_298 : memref<1x80x128xf32, #tpu.memory_space<vmem>> -> memref<80x128xf32, #tpu.memory_space<vmem>>
        %dma_start3A_300 = arith.constant 0 : i32
        %dma_start3A_301 = arith.constant 0 : i32
        %dma_start3A_302 = tpu.memref_slice %arg2[%add3A_286, %dma_start3A_300, %dma_start3A_301] : memref<4000x80x128xf32, #tpu.memory_space<hbm>> -> memref<1x80x128xf32, #tpu.memory_space<hbm>>
        %dma_start3A_303 = tpu.memref_squeeze %dma_start3A_302 : memref<1x80x128xf32, #tpu.memory_space<hbm>> -> memref<80x128xf32, #tpu.memory_space<hbm>>
        tpu.enqueue_dma source(%dma_start3A_303 : memref<80x128xf32, #tpu.memory_space<hbm>>) target(%dma_start3A_299 : memref<80x128xf32, #tpu.memory_space<vmem>>) target_semaphore(%arg11 : memref<!tpu.dma_semaphore, #tpu.memory_space<semaphore_mem>>)
        %add3A_304 = arith.constant 1 : i32
        %add3A_305 = arith.addi %add3A_147, %add3A_304 : i32
        %dma_start3A_306 = arith.constant 1 : i32
        %dma_start3A_307 = arith.constant 0 : i32
        %dma_start3A_308 = arith.constant 0 : i32
        %dma_start3A_309 = tpu.memref_slice %arg8[%dma_start3A_306, %dma_start3A_307, %dma_start3A_308] : memref<2x80x128xf32, #tpu.memory_space<vmem>> -> memref<1x80x128xf32, #tpu.memory_space<vmem>>
        %dma_start3A_310 = tpu.memref_squeeze %dma_start3A_309 : memref<1x80x128xf32, #tpu.memory_space<vmem>> -> memref<80x128xf32, #tpu.memory_space<vmem>>
        %dma_start3A_311 = arith.constant 0 : i32
        %dma_start3A_312 = tpu.memref_slice %arg6[%add3A_305, %dma_start3A_311] : memref<125x80xi32, #tpu.memory_space<vmem>> -> memref<1x80xi32, #tpu.memory_space<vmem>>
        %dma_start3A_313 = tpu.memref_squeeze %dma_start3A_312 : memref<1x80xi32, #tpu.memory_space<vmem>> -> memref<80xi32, #tpu.memory_space<vmem>>
        %dma_start3A_314 = arith.constant 0 : i32
        %dma_start3A_315 = arith.constant 0 : i32
        %dma_start3A_316 = tpu.memref_slice %arg9[%dma_start3A_314, %dma_start3A_315] : memref<1024x128xf32, #tpu.memory_space<vmem_shared>> -> memref<1024x128xf32, #tpu.memory_space<vmem_shared>>
        tpu.enqueue_indirect_dma source(%dma_start3A_316 : memref<1024x128xf32, #tpu.memory_space<vmem_shared>>) target(%dma_start3A_310 : memref<80x128xf32, #tpu.memory_space<vmem>>) offsets(%dma_start3A_313 : memref<80xi32, #tpu.memory_space<vmem>>) semaphore(%arg13 : memref<!tpu.dma_semaphore, #tpu.memory_space<semaphore_mem>>)
      } else {
      }
      %mul3A_154 = arith.constant 125 : i32
      %mul3A_155 = arith.muli %add3A, %mul3A_154 : i32
      %add3A_156 = arith.addi %mul3A_155, %add3A_147 : i32
      %dma_wait3A_157 = arith.constant 0 : i32
      %dma_wait3A_158 = arith.constant 0 : i32
      %dma_wait3A_159 = arith.constant 0 : i32
      %dma_wait3A_160 = tpu.memref_slice %arg7[%dma_wait3A_157, %dma_wait3A_158, %dma_wait3A_159] : memref<2x80x128xf32, #tpu.memory_space<vmem>> -> memref<1x80x128xf32, #tpu.memory_space<vmem>>
      %dma_wait3A_161 = tpu.memref_squeeze %dma_wait3A_160 : memref<1x80x128xf32, #tpu.memory_space<vmem>> -> memref<80x128xf32, #tpu.memory_space<vmem>>
      %dma_wait3A_162 = arith.constant 0 : i32
      %dma_wait3A_163 = arith.constant 0 : i32
      %dma_wait3A_164 = tpu.memref_slice %arg2[%add3A_156, %dma_wait3A_162, %dma_wait3A_163] : memref<4000x80x128xf32, #tpu.memory_space<hbm>> -> memref<1x80x128xf32, #tpu.memory_space<hbm>>
      %dma_wait3A_165 = tpu.memref_squeeze %dma_wait3A_164 : memref<1x80x128xf32, #tpu.memory_space<hbm>> -> memref<80x128xf32, #tpu.memory_space<hbm>>
      %dma_wait3A_166 = arith.constant 0 : i32
      %dma_wait3A_167 = arith.constant 0 : i32
      %dma_wait3A_168 = tpu.memref_slice %arg7[%dma_wait3A_157, %dma_wait3A_166, %dma_wait3A_167] : memref<2x80x128xf32, #tpu.memory_space<vmem>> -> memref<1x80x128xf32, #tpu.memory_space<vmem>>
      %dma_wait3A_169 = tpu.memref_squeeze %dma_wait3A_168 : memref<1x80x128xf32, #tpu.memory_space<vmem>> -> memref<80x128xf32, #tpu.memory_space<vmem>>
      %dma_wait3A_170 = arith.constant 0 : i32
      %dma_wait3A_171 = arith.constant 0 : i32
      %dma_wait3A_172 = tpu.memref_slice %arg2[%add3A_156, %dma_wait3A_170, %dma_wait3A_171] : memref<4000x80x128xf32, #tpu.memory_space<hbm>> -> memref<1x80x128xf32, #tpu.memory_space<hbm>>
      %dma_wait3A_173 = tpu.memref_squeeze %dma_wait3A_172 : memref<1x80x128xf32, #tpu.memory_space<hbm>> -> memref<80x128xf32, #tpu.memory_space<hbm>>
      tpu.wait_dma2 semaphore(%arg10 : memref<!tpu.dma_semaphore, #tpu.memory_space<semaphore_mem>>) src(%dma_wait3A_173 : memref<80x128xf32, #tpu.memory_space<hbm>>) dst(%dma_wait3A_169 : memref<80x128xf32, #tpu.memory_space<vmem>>)
      %dma_wait3A_174 = arith.constant 0 : i32
      %dma_wait3A_175 = arith.constant 0 : i32
      %dma_wait3A_176 = arith.constant 0 : i32
      %dma_wait3A_177 = tpu.memref_slice %arg8[%dma_wait3A_174, %dma_wait3A_175, %dma_wait3A_176] : memref<2x80x128xf32, #tpu.memory_space<vmem>> -> memref<1x80x128xf32, #tpu.memory_space<vmem>>
      %dma_wait3A_178 = tpu.memref_squeeze %dma_wait3A_177 : memref<1x80x128xf32, #tpu.memory_space<vmem>> -> memref<80x128xf32, #tpu.memory_space<vmem>>
      %dma_wait3A_179 = arith.constant 0 : i32
      %dma_wait3A_180 = tpu.memref_slice %arg6[%add3A_147, %dma_wait3A_179] : memref<125x80xi32, #tpu.memory_space<vmem>> -> memref<1x80xi32, #tpu.memory_space<vmem>>
      %dma_wait3A_181 = tpu.memref_squeeze %dma_wait3A_180 : memref<1x80xi32, #tpu.memory_space<vmem>> -> memref<80xi32, #tpu.memory_space<vmem>>
      %dma_wait3A_182 = arith.constant 0 : i32
      %dma_wait3A_183 = arith.constant 0 : i32
      %dma_wait3A_184 = tpu.memref_slice %arg9[%dma_wait3A_182, %dma_wait3A_183] : memref<1024x128xf32, #tpu.memory_space<vmem_shared>> -> memref<1024x128xf32, #tpu.memory_space<vmem_shared>>
      tpu.wait_indirect_dma semaphore(%arg12 : memref<!tpu.dma_semaphore, #tpu.memory_space<semaphore_mem>>) src(%dma_wait3A_184 : memref<1024x128xf32, #tpu.memory_space<vmem_shared>>) dst(%dma_wait3A_178 : memref<80x128xf32, #tpu.memory_space<vmem>>)
      %scan3A_185 = arith.constant 0 : i32
      %scan3A_186 = arith.constant 0 : i32
      %scan3A_187 = arith.constant 80 : i32
      %scan3A_188 = arith.addi %scan3A_186, %scan3A_187 : i32
      %scan3A_189 = arith.constant 1 : i32
      scf.for %scan3A_282 = %scan3A_186 to %scan3A_188 step %scan3A_189  : i32 {
        %get3A = arith.constant 0 : i32
        %get3A_283 = arith.index_cast %get3A : i32 to index
        %get3A_284 = arith.index_cast %scan3A_282 : i32 to index
        %get3A_285 = arith.constant 0 : index
        %get3A_286 = tpu.vector_load %arg7[%get3A_283, %get3A_284, %get3A_285] {strides = array<i32>} : memref<2x80x128xf32, #tpu.memory_space<vmem>>, vector<1x1x16xf32>,
        %get3A_287 = vector.shape_cast %get3A_286 : vector<1x1x16xf32> to vector<16xf32>
        %get3A_288 = arith.constant 0 : i32
        %get3A_289 = arith.index_cast %get3A_288 : i32 to index
        %get3A_290 = arith.index_cast %scan3A_282 : i32 to index
        %get3A_291 = arith.constant 0 : index
        %get3A_292 = tpu.vector_load %arg8[%get3A_289, %get3A_290, %get3A_291] {strides = array<i32>} : memref<2x80x128xf32, #tpu.memory_space<vmem>>, vector<1x1x16xf32>,
        %get3A_293 = vector.shape_cast %get3A_292 : vector<1x1x16xf32> to vector<16xf32>
        %mul3A_294 = arith.mulf %get3A_287, %get3A_293 : vector<16xf32>
        %swap3A = arith.constant 0 : i32
        %swap3A_295 = arith.index_cast %swap3A : i32 to index
        %swap3A_296 = arith.index_cast %scan3A_282 : i32 to index
        %swap3A_297 = arith.constant 0 : index
        %swap3A_298 = tpu.vector_load %arg7[%swap3A_295, %swap3A_296, %swap3A_297] {strides = array<i32>} : memref<2x80x128xf32, #tpu.memory_space<vmem>>, vector<1x1x16xf32>,
        %swap3A_299 = vector.shape_cast %swap3A_298 : vector<1x1x16xf32> to vector<16xf32>
        %swap3A_300 = vector.shape_cast %mul3A_294 : vector<16xf32> to vector<1x1x16xf32>
        tpu.vector_store %arg7[%swap3A_295, %swap3A_296, %swap3A_297], %swap3A_300 {strides = array<i32>} : memref<2x80x128xf32, #tpu.memory_space<vmem>>, vector<1x1x16xf32>,
        %get3A_301 = arith.constant 0 : i32
        %get3A_302 = arith.index_cast %get3A_301 : i32 to index
        %get3A_303 = arith.index_cast %scan3A_282 : i32 to index
        %get3A_304 = arith.constant 16 : index
        %get3A_305 = tpu.vector_load %arg7[%get3A_302, %get3A_303, %get3A_304] {strides = array<i32>} : memref<2x80x128xf32, #tpu.memory_space<vmem>>, vector<1x1x16xf32>,
        %get3A_306 = vector.shape_cast %get3A_305 : vector<1x1x16xf32> to vector<16xf32>
        %get3A_307 = arith.constant 0 : i32
        %get3A_308 = arith.index_cast %get3A_307 : i32 to index
        %get3A_309 = arith.index_cast %scan3A_282 : i32 to index
        %get3A_310 = arith.constant 16 : index
        %get3A_311 = tpu.vector_load %arg8[%get3A_308, %get3A_309, %get3A_310] {strides = array<i32>} : memref<2x80x128xf32, #tpu.memory_space<vmem>>, vector<1x1x16xf32>,
        %get3A_312 = vector.shape_cast %get3A_311 : vector<1x1x16xf32> to vector<16xf32>
        %mul3A_313 = arith.mulf %get3A_306, %get3A_312 : vector<16xf32>
        %swap3A_314 = arith.constant 0 : i32
        %swap3A_315 = arith.index_cast %swap3A_314 : i32 to index
        %swap3A_316 = arith.index_cast %scan3A_282 : i32 to index
        %swap3A_317 = arith.constant 16 : index
        %swap3A_318 = tpu.vector_load %arg7[%swap3A_315, %swap3A_316, %swap3A_317] {strides = array<i32>} : memref<2x80x128xf32, #tpu.memory_space<vmem>>, vector<1x1x16xf32>,
        %swap3A_319 = vector.shape_cast %swap3A_318 : vector<1x1x16xf32> to vector<16xf32>
        %swap3A_320 = vector.shape_cast %mul3A_313 : vector<16xf32> to vector<1x1x16xf32>
        tpu.vector_store %arg7[%swap3A_315, %swap3A_316, %swap3A_317], %swap3A_320 {strides = array<i32>} : memref<2x80x128xf32, #tpu.memory_space<vmem>>, vector<1x1x16xf32>,
        %get3A_321 = arith.constant 0 : i32
        %get3A_322 = arith.index_cast %get3A_321 : i32 to index
        %get3A_323 = arith.index_cast %scan3A_282 : i32 to index
        %get3A_324 = arith.constant 32 : index
        %get3A_325 = tpu.vector_load %arg7[%get3A_322, %get3A_323, %get3A_324] {strides = array<i32>} : memref<2x80x128xf32, #tpu.memory_space<vmem>>, vector<1x1x16xf32>,
        %get3A_326 = vector.shape_cast %get3A_325 : vector<1x1x16xf32> to vector<16xf32>
        %get3A_327 = arith.constant 0 : i32
        %get3A_328 = arith.index_cast %get3A_327 : i32 to index
        %get3A_329 = arith.index_cast %scan3A_282 : i32 to index
        %get3A_330 = arith.constant 32 : index
        %get3A_331 = tpu.vector_load %arg8[%get3A_328, %get3A_329, %get3A_330] {strides = array<i32>} : memref<2x80x128xf32, #tpu.memory_space<vmem>>, vector<1x1x16xf32>,
        %get3A_332 = vector.shape_cast %get3A_331 : vector<1x1x16xf32> to vector<16xf32>
        %mul3A_333 = arith.mulf %get3A_326, %get3A_332 : vector<16xf32>
        %swap3A_334 = arith.constant 0 : i32
        %swap3A_335 = arith.index_cast %swap3A_334 : i32 to index
        %swap3A_336 = arith.index_cast %scan3A_282 : i32 to index
        %swap3A_337 = arith.constant 32 : index
        %swap3A_338 = tpu.vector_load %arg7[%swap3A_335, %swap3A_336, %swap3A_337] {strides = array<i32>} : memref<2x80x128xf32, #tpu.memory_space<vmem>>, vector<1x1x16xf32>,
        %swap3A_339 = vector.shape_cast %swap3A_338 : vector<1x1x16xf32> to vector<16xf32>
        %swap3A_340 = vector.shape_cast %mul3A_333 : vector<16xf32> to vector<1x1x16xf32>
        tpu.vector_store %arg7[%swap3A_335, %swap3A_336, %swap3A_337], %swap3A_340 {strides = array<i32>} : memref<2x80x128xf32, #tpu.memory_space<vmem>>, vector<1x1x16xf32>,
        %get3A_341 = arith.constant 0 : i32
        %get3A_342 = arith.index_cast %get3A_341 : i32 to index
        %get3A_343 = arith.index_cast %scan3A_282 : i32 to index
        %get3A_344 = arith.constant 48 : index
        %get3A_345 = tpu.vector_load %arg7[%get3A_342, %get3A_343, %get3A_344] {strides = array<i32>} : memref<2x80x128xf32, #tpu.memory_space<vmem>>, vector<1x1x16xf32>,
        %get3A_346 = vector.shape_cast %get3A_345 : vector<1x1x16xf32> to vector<16xf32>
        %get3A_347 = arith.constant 0 : i32
        %get3A_348 = arith.index_cast %get3A_347 : i32 to index
        %get3A_349 = arith.index_cast %scan3A_282 : i32 to index
        %get3A_350 = arith.constant 48 : index
        %get3A_351 = tpu.vector_load %arg8[%get3A_348, %get3A_349, %get3A_350] {strides = array<i32>} : memref<2x80x128xf32, #tpu.memory_space<vmem>>, vector<1x1x16xf32>,
        %get3A_352 = vector.shape_cast %get3A_351 : vector<1x1x16xf32> to vector<16xf32>
        %mul3A_353 = arith.mulf %get3A_346, %get3A_352 : vector<16xf32>
        %swap3A_354 = arith.constant 0 : i32
        %swap3A_355 = arith.index_cast %swap3A_354 : i32 to index
        %swap3A_356 = arith.index_cast %scan3A_282 : i32 to index
        %swap3A_357 = arith.constant 48 : index
        %swap3A_358 = tpu.vector_load %arg7[%swap3A_355, %swap3A_356, %swap3A_357] {strides = array<i32>} : memref<2x80x128xf32, #tpu.memory_space<vmem>>, vector<1x1x16xf32>,
        %swap3A_359 = vector.shape_cast %swap3A_358 : vector<1x1x16xf32> to vector<16xf32>
        %swap3A_360 = vector.shape_cast %mul3A_353 : vector<16xf32> to vector<1x1x16xf32>
        tpu.vector_store %arg7[%swap3A_355, %swap3A_356, %swap3A_357], %swap3A_360 {strides = array<i32>} : memref<2x80x128xf32, #tpu.memory_space<vmem>>, vector<1x1x16xf32>,
        %get3A_361 = arith.constant 0 : i32
        %get3A_362 = arith.index_cast %get3A_361 : i32 to index
        %get3A_363 = arith.index_cast %scan3A_282 : i32 to index
        %get3A_364 = arith.constant 64 : index
        %get3A_365 = tpu.vector_load %arg7[%get3A_362, %get3A_363, %get3A_364] {strides = array<i32>} : memref<2x80x128xf32, #tpu.memory_space<vmem>>, vector<1x1x16xf32>,
        %get3A_366 = vector.shape_cast %get3A_365 : vector<1x1x16xf32> to vector<16xf32>
        %get3A_367 = arith.constant 0 : i32
        %get3A_368 = arith.index_cast %get3A_367 : i32 to index
        %get3A_369 = arith.index_cast %scan3A_282 : i32 to index
        %get3A_370 = arith.constant 64 : index
        %get3A_371 = tpu.vector_load %arg8[%get3A_368, %get3A_369, %get3A_370] {strides = array<i32>} : memref<2x80x128xf32, #tpu.memory_space<vmem>>, vector<1x1x16xf32>,
        %get3A_372 = vector.shape_cast %get3A_371 : vector<1x1x16xf32> to vector<16xf32>
        %mul3A_373 = arith.mulf %get3A_366, %get3A_372 : vector<16xf32>
        %swap3A_374 = arith.constant 0 : i32
        %swap3A_375 = arith.index_cast %swap3A_374 : i32 to index
        %swap3A_376 = arith.index_cast %scan3A_282 : i32 to index
        %swap3A_377 = arith.constant 64 : index
        %swap3A_378 = tpu.vector_load %arg7[%swap3A_375, %swap3A_376, %swap3A_377] {strides = array<i32>} : memref<2x80x128xf32, #tpu.memory_space<vmem>>, vector<1x1x16xf32>,
        %swap3A_379 = vector.shape_cast %swap3A_378 : vector<1x1x16xf32> to vector<16xf32>
        %swap3A_380 = vector.shape_cast %mul3A_373 : vector<16xf32> to vector<1x1x16xf32>
        tpu.vector_store %arg7[%swap3A_375, %swap3A_376, %swap3A_377], %swap3A_380 {strides = array<i32>} : memref<2x80x128xf32, #tpu.memory_space<vmem>>, vector<1x1x16xf32>,
        %get3A_381 = arith.constant 0 : i32
        %get3A_382 = arith.index_cast %get3A_381 : i32 to index
        %get3A_383 = arith.index_cast %scan3A_282 : i32 to index
        %get3A_384 = arith.constant 80 : index
        %get3A_385 = tpu.vector_load %arg7[%get3A_382, %get3A_383, %get3A_384] {strides = array<i32>} : memref<2x80x128xf32, #tpu.memory_space<vmem>>, vector<1x1x16xf32>,
        %get3A_386 = vector.shape_cast %get3A_385 : vector<1x1x16xf32> to vector<16xf32>
        %get3A_387 = arith.constant 0 : i32
        %get3A_388 = arith.index_cast %get3A_387 : i32 to index
        %get3A_389 = arith.index_cast %scan3A_282 : i32 to index
        %get3A_390 = arith.constant 80 : index
        %get3A_391 = tpu.vector_load %arg8[%get3A_388, %get3A_389, %get3A_390] {strides = array<i32>} : memref<2x80x128xf32, #tpu.memory_space<vmem>>, vector<1x1x16xf32>,
        %get3A_392 = vector.shape_cast %get3A_391 : vector<1x1x16xf32> to vector<16xf32>
        %mul3A_393 = arith.mulf %get3A_386, %get3A_392 : vector<16xf32>
        %swap3A_394 = arith.constant 0 : i32
        %swap3A_395 = arith.index_cast %swap3A_394 : i32 to index
        %swap3A_396 = arith.index_cast %scan3A_282 : i32 to index
        %swap3A_397 = arith.constant 80 : index
        %swap3A_398 = tpu.vector_load %arg7[%swap3A_395, %swap3A_396, %swap3A_397] {strides = array<i32>} : memref<2x80x128xf32, #tpu.memory_space<vmem>>, vector<1x1x16xf32>,
        %swap3A_399 = vector.shape_cast %swap3A_398 : vector<1x1x16xf32> to vector<16xf32>
        %swap3A_400 = vector.shape_cast %mul3A_393 : vector<16xf32> to vector<1x1x16xf32>
        tpu.vector_store %arg7[%swap3A_395, %swap3A_396, %swap3A_397], %swap3A_400 {strides = array<i32>} : memref<2x80x128xf32, #tpu.memory_space<vmem>>, vector<1x1x16xf32>,
        %get3A_401 = arith.constant 0 : i32
        %get3A_402 = arith.index_cast %get3A_401 : i32 to index
        %get3A_403 = arith.index_cast %scan3A_282 : i32 to index
        %get3A_404 = arith.constant 96 : index
        %get3A_405 = tpu.vector_load %arg7[%get3A_402, %get3A_403, %get3A_404] {strides = array<i32>} : memref<2x80x128xf32, #tpu.memory_space<vmem>>, vector<1x1x16xf32>,
        %get3A_406 = vector.shape_cast %get3A_405 : vector<1x1x16xf32> to vector<16xf32>
        %get3A_407 = arith.constant 0 : i32
        %get3A_408 = arith.index_cast %get3A_407 : i32 to index
        %get3A_409 = arith.index_cast %scan3A_282 : i32 to index
        %get3A_410 = arith.constant 96 : index
        %get3A_411 = tpu.vector_load %arg8[%get3A_408, %get3A_409, %get3A_410] {strides = array<i32>} : memref<2x80x128xf32, #tpu.memory_space<vmem>>, vector<1x1x16xf32>,
        %get3A_412 = vector.shape_cast %get3A_411 : vector<1x1x16xf32> to vector<16xf32>
        %mul3A_413 = arith.mulf %get3A_406, %get3A_412 : vector<16xf32>
        %swap3A_414 = arith.constant 0 : i32
        %swap3A_415 = arith.index_cast %swap3A_414 : i32 to index
        %swap3A_416 = arith.index_cast %scan3A_282 : i32 to index
        %swap3A_417 = arith.constant 96 : index
        %swap3A_418 = tpu.vector_load %arg7[%swap3A_415, %swap3A_416, %swap3A_417] {strides = array<i32>} : memref<2x80x128xf32, #tpu.memory_space<vmem>>, vector<1x1x16xf32>,
        %swap3A_419 = vector.shape_cast %swap3A_418 : vector<1x1x16xf32> to vector<16xf32>
        %swap3A_420 = vector.shape_cast %mul3A_413 : vector<16xf32> to vector<1x1x16xf32>
        tpu.vector_store %arg7[%swap3A_415, %swap3A_416, %swap3A_417], %swap3A_420 {strides = array<i32>} : memref<2x80x128xf32, #tpu.memory_space<vmem>>, vector<1x1x16xf32>,
        %get3A_421 = arith.constant 0 : i32
        %get3A_422 = arith.index_cast %get3A_421 : i32 to index
        %get3A_423 = arith.index_cast %scan3A_282 : i32 to index
        %get3A_424 = arith.constant 112 : index
        %get3A_425 = tpu.vector_load %arg7[%get3A_422, %get3A_423, %get3A_424] {strides = array<i32>} : memref<2x80x128xf32, #tpu.memory_space<vmem>>, vector<1x1x16xf32>,
        %get3A_426 = vector.shape_cast %get3A_425 : vector<1x1x16xf32> to vector<16xf32>
        %get3A_427 = arith.constant 0 : i32
        %get3A_428 = arith.index_cast %get3A_427 : i32 to index
        %get3A_429 = arith.index_cast %scan3A_282 : i32 to index
        %get3A_430 = arith.constant 112 : index
        %get3A_431 = tpu.vector_load %arg8[%get3A_428, %get3A_429, %get3A_430] {strides = array<i32>} : memref<2x80x128xf32, #tpu.memory_space<vmem>>, vector<1x1x16xf32>,
        %get3A_432 = vector.shape_cast %get3A_431 : vector<1x1x16xf32> to vector<16xf32>
        %mul3A_433 = arith.mulf %get3A_426, %get3A_432 : vector<16xf32>
        %swap3A_434 = arith.constant 0 : i32
        %swap3A_435 = arith.index_cast %swap3A_434 : i32 to index
        %swap3A_436 = arith.index_cast %scan3A_282 : i32 to index
        %swap3A_437 = arith.constant 112 : index
        %swap3A_438 = tpu.vector_load %arg7[%swap3A_435, %swap3A_436, %swap3A_437] {strides = array<i32>} : memref<2x80x128xf32, #tpu.memory_space<vmem>>, vector<1x1x16xf32>,
        %swap3A_439 = vector.shape_cast %swap3A_438 : vector<1x1x16xf32> to vector<16xf32>
        %swap3A_440 = vector.shape_cast %mul3A_433 : vector<16xf32> to vector<1x1x16xf32>
        tpu.vector_store %arg7[%swap3A_435, %swap3A_436, %swap3A_437], %swap3A_440 {strides = array<i32>} : memref<2x80x128xf32, #tpu.memory_space<vmem>>, vector<1x1x16xf32>,
      }
      %scan3A_190 = arith.constant 80 : i32
      %mul3A_191 = arith.constant 125 : i32
      %mul3A_192 = arith.muli %add3A, %mul3A_191 : i32
      %add3A_193 = arith.addi %mul3A_192, %add3A_147 : i32
      %dma_start3A_194 = arith.constant 0 : i32
      %dma_start3A_195 = arith.constant 0 : i32
      %dma_start3A_196 = arith.constant 0 : i32
      %dma_start3A_197 = tpu.memref_slice %arg7[%dma_start3A_194, %dma_start3A_195, %dma_start3A_196] : memref<2x80x128xf32, #tpu.memory_space<vmem>> -> memref<1x80x128xf32, #tpu.memory_space<vmem>>
      %dma_start3A_198 = tpu.memref_squeeze %dma_start3A_197 : memref<1x80x128xf32, #tpu.memory_space<vmem>> -> memref<80x128xf32, #tpu.memory_space<vmem>>
      %dma_start3A_199 = arith.constant 0 : i32
      %dma_start3A_200 = arith.constant 0 : i32
      %dma_start3A_201 = tpu.memref_slice %arg5[%add3A_193, %dma_start3A_199, %dma_start3A_200] : memref<4000x80x128xf32, #tpu.memory_space<hbm>> -> memref<1x80x128xf32, #tpu.memory_space<hbm>>
      %dma_start3A_202 = tpu.memref_squeeze %dma_start3A_201 : memref<1x80x128xf32, #tpu.memory_space<hbm>> -> memref<80x128xf32, #tpu.memory_space<hbm>>
      %dma_start3A_203 = arith.constant 0 : i32
      %dma_start3A_204 = arith.constant 0 : i32
      %dma_start3A_205 = tpu.memref_slice %arg5[%add3A_193, %dma_start3A_203, %dma_start3A_204] : memref<4000x80x128xf32, #tpu.memory_space<hbm>> -> memref<1x80x128xf32, #tpu.memory_space<hbm>>
      %dma_start3A_206 = tpu.memref_squeeze %dma_start3A_205 : memref<1x80x128xf32, #tpu.memory_space<hbm>> -> memref<80x128xf32, #tpu.memory_space<hbm>>
      %dma_start3A_207 = arith.constant 0 : i32
      %dma_start3A_208 = arith.constant 0 : i32
      %dma_start3A_209 = tpu.memref_slice %arg7[%dma_start3A_194, %dma_start3A_207, %dma_start3A_208] : memref<2x80x128xf32, #tpu.memory_space<vmem>> -> memref<1x80x128xf32, #tpu.memory_space<vmem>>
      %dma_start3A_210 = tpu.memref_squeeze %dma_start3A_209 : memref<1x80x128xf32, #tpu.memory_space<vmem>> -> memref<80x128xf32, #tpu.memory_space<vmem>>
      tpu.enqueue_dma source(%dma_start3A_210 : memref<80x128xf32, #tpu.memory_space<vmem>>) target(%dma_start3A_206 : memref<80x128xf32, #tpu.memory_space<hbm>>) target_semaphore(%arg14 : memref<!tpu.dma_semaphore, #tpu.memory_space<semaphore_mem>>)
      %mul3A_211 = arith.constant 2 : i32
      %mul3A_212 = arith.muli %mul3A_211, %scan3A_143 : i32
      %add3A_213 = arith.constant 1 : i32
      %add3A_214 = arith.addi %mul3A_212, %add3A_213 : i32
      %gt3A_215 = arith.constant 0 : i32
      %gt3A_216 = arith.cmpi sgt, %add3A_214, %gt3A_215 : i32
      %convert_element_type3A_217 = arith.extui %gt3A_216 : i1 to i32
      %cond3A_218 = arith.constant 0 : i32
      %cond3A_219 = arith.cmpi ne, %convert_element_type3A_217, %cond3A_218 : i32
      scf.if %cond3A_219 {
        %sub3A = arith.constant 1 : i32
        %sub3A_282 = arith.subi %add3A_214, %sub3A : i32
        %mul3A_283 = arith.constant 125 : i32
        %mul3A_284 = arith.muli %add3A, %mul3A_283 : i32
        %add3A_285 = arith.addi %mul3A_284, %sub3A_282 : i32
        %dma_wait3A_286 = arith.constant 0 : i32
        %dma_wait3A_287 = arith.constant 0 : i32
        %dma_wait3A_288 = arith.constant 0 : i32
        %dma_wait3A_289 = tpu.memref_slice %arg7[%dma_wait3A_286, %dma_wait3A_287, %dma_wait3A_288] : memref<2x80x128xf32, #tpu.memory_space<vmem>> -> memref<1x80x128xf32, #tpu.memory_space<vmem>>
        %dma_wait3A_290 = tpu.memref_squeeze %dma_wait3A_289 : memref<1x80x128xf32, #tpu.memory_space<vmem>> -> memref<80x128xf32, #tpu.memory_space<vmem>>
        %dma_wait3A_291 = arith.constant 0 : i32
        %dma_wait3A_292 = arith.constant 0 : i32
        %dma_wait3A_293 = tpu.memref_slice %arg5[%add3A_285, %dma_wait3A_291, %dma_wait3A_292] : memref<4000x80x128xf32, #tpu.memory_space<hbm>> -> memref<1x80x128xf32, #tpu.memory_space<hbm>>
        %dma_wait3A_294 = tpu.memref_squeeze %dma_wait3A_293 : memref<1x80x128xf32, #tpu.memory_space<hbm>> -> memref<80x128xf32, #tpu.memory_space<hbm>>
        %dma_wait3A_295 = arith.constant 0 : i32
        %dma_wait3A_296 = arith.constant 0 : i32
        %dma_wait3A_297 = tpu.memref_slice %arg5[%add3A_285, %dma_wait3A_295, %dma_wait3A_296] : memref<4000x80x128xf32, #tpu.memory_space<hbm>> -> memref<1x80x128xf32, #tpu.memory_space<hbm>>
        %dma_wait3A_298 = tpu.memref_squeeze %dma_wait3A_297 : memref<1x80x128xf32, #tpu.memory_space<hbm>> -> memref<80x128xf32, #tpu.memory_space<hbm>>
        %dma_wait3A_299 = arith.constant 0 : i32
        %dma_wait3A_300 = arith.constant 0 : i32
        %dma_wait3A_301 = tpu.memref_slice %arg7[%dma_wait3A_286, %dma_wait3A_299, %dma_wait3A_300] : memref<2x80x128xf32, #tpu.memory_space<vmem>> -> memref<1x80x128xf32, #tpu.memory_space<vmem>>
        %dma_wait3A_302 = tpu.memref_squeeze %dma_wait3A_301 : memref<1x80x128xf32, #tpu.memory_space<vmem>> -> memref<80x128xf32, #tpu.memory_space<vmem>>
        tpu.wait_dma2 semaphore(%arg14 : memref<!tpu.dma_semaphore, #tpu.memory_space<semaphore_mem>>) src(%dma_wait3A_302 : memref<80x128xf32, #tpu.memory_space<vmem>>) dst(%dma_wait3A_298 : memref<80x128xf32, #tpu.memory_space<hbm>>)
      } else {
      }
      %lt3A_220 = arith.constant 124 : i32
      %lt3A_221 = arith.cmpi slt, %add3A_214, %lt3A_220 : i32
      %convert_element_type3A_222 = arith.extui %lt3A_221 : i1 to i32
      %cond3A_223 = arith.constant 0 : i32
      %cond3A_224 = arith.cmpi ne, %convert_element_type3A_222, %cond3A_223 : i32
      scf.if %cond3A_224 {
        %add3A_282 = arith.constant 1 : i32
        %add3A_283 = arith.addi %add3A_214, %add3A_282 : i32
        %mul3A_284 = arith.constant 125 : i32
        %mul3A_285 = arith.muli %add3A, %mul3A_284 : i32
        %add3A_286 = arith.addi %mul3A_285, %add3A_283 : i32
        %dma_start3A_287 = arith.constant 0 : i32
        %dma_start3A_288 = arith.constant 0 : i32
        %dma_start3A_289 = arith.constant 0 : i32
        %dma_start3A_290 = tpu.memref_slice %arg7[%dma_start3A_287, %dma_start3A_288, %dma_start3A_289] : memref<2x80x128xf32, #tpu.memory_space<vmem>> -> memref<1x80x128xf32, #tpu.memory_space<vmem>>
        %dma_start3A_291 = tpu.memref_squeeze %dma_start3A_290 : memref<1x80x128xf32, #tpu.memory_space<vmem>> -> memref<80x128xf32, #tpu.memory_space<vmem>>
        %dma_start3A_292 = arith.constant 0 : i32
        %dma_start3A_293 = arith.constant 0 : i32
        %dma_start3A_294 = tpu.memref_slice %arg2[%add3A_286, %dma_start3A_292, %dma_start3A_293] : memref<4000x80x128xf32, #tpu.memory_space<hbm>> -> memref<1x80x128xf32, #tpu.memory_space<hbm>>
        %dma_start3A_295 = tpu.memref_squeeze %dma_start3A_294 : memref<1x80x128xf32, #tpu.memory_space<hbm>> -> memref<80x128xf32, #tpu.memory_space<hbm>>
        %dma_start3A_296 = arith.constant 0 : i32
        %dma_start3A_297 = arith.constant 0 : i32
        %dma_start3A_298 = tpu.memref_slice %arg7[%dma_start3A_287, %dma_start3A_296, %dma_start3A_297] : memref<2x80x128xf32, #tpu.memory_space<vmem>> -> memref<1x80x128xf32, #tpu.memory_space<vmem>>
        %dma_start3A_299 = tpu.memref_squeeze %dma_start3A_298 : memref<1x80x128xf32, #tpu.memory_space<vmem>> -> memref<80x128xf32, #tpu.memory_space<vmem>>
        %dma_start3A_300 = arith.constant 0 : i32
        %dma_start3A_301 = arith.constant 0 : i32
        %dma_start3A_302 = tpu.memref_slice %arg2[%add3A_286, %dma_start3A_300, %dma_start3A_301] : memref<4000x80x128xf32, #tpu.memory_space<hbm>> -> memref<1x80x128xf32, #tpu.memory_space<hbm>>
        %dma_start3A_303 = tpu.memref_squeeze %dma_start3A_302 : memref<1x80x128xf32, #tpu.memory_space<hbm>> -> memref<80x128xf32, #tpu.memory_space<hbm>>
        tpu.enqueue_dma source(%dma_start3A_303 : memref<80x128xf32, #tpu.memory_space<hbm>>) target(%dma_start3A_299 : memref<80x128xf32, #tpu.memory_space<vmem>>) target_semaphore(%arg10 : memref<!tpu.dma_semaphore, #tpu.memory_space<semaphore_mem>>)
        %add3A_304 = arith.constant 1 : i32
        %add3A_305 = arith.addi %add3A_214, %add3A_304 : i32
        %dma_start3A_306 = arith.constant 0 : i32
        %dma_start3A_307 = arith.constant 0 : i32
        %dma_start3A_308 = arith.constant 0 : i32
        %dma_start3A_309 = tpu.memref_slice %arg8[%dma_start3A_306, %dma_start3A_307, %dma_start3A_308] : memref<2x80x128xf32, #tpu.memory_space<vmem>> -> memref<1x80x128xf32, #tpu.memory_space<vmem>>
        %dma_start3A_310 = tpu.memref_squeeze %dma_start3A_309 : memref<1x80x128xf32, #tpu.memory_space<vmem>> -> memref<80x128xf32, #tpu.memory_space<vmem>>
        %dma_start3A_311 = arith.constant 0 : i32
        %dma_start3A_312 = tpu.memref_slice %arg6[%add3A_305, %dma_start3A_311] : memref<125x80xi32, #tpu.memory_space<vmem>> -> memref<1x80xi32, #tpu.memory_space<vmem>>
        %dma_start3A_313 = tpu.memref_squeeze %dma_start3A_312 : memref<1x80xi32, #tpu.memory_space<vmem>> -> memref<80xi32, #tpu.memory_space<vmem>>
        %dma_start3A_314 = arith.constant 0 : i32
        %dma_start3A_315 = arith.constant 0 : i32
        %dma_start3A_316 = tpu.memref_slice %arg9[%dma_start3A_314, %dma_start3A_315] : memref<1024x128xf32, #tpu.memory_space<vmem_shared>> -> memref<1024x128xf32, #tpu.memory_space<vmem_shared>>
        tpu.enqueue_indirect_dma source(%dma_start3A_316 : memref<1024x128xf32, #tpu.memory_space<vmem_shared>>) target(%dma_start3A_310 : memref<80x128xf32, #tpu.memory_space<vmem>>) offsets(%dma_start3A_313 : memref<80xi32, #tpu.memory_space<vmem>>) semaphore(%arg12 : memref<!tpu.dma_semaphore, #tpu.memory_space<semaphore_mem>>)
      } else {
      }
      %mul3A_225 = arith.constant 125 : i32
      %mul3A_226 = arith.muli %add3A, %mul3A_225 : i32
      %add3A_227 = arith.addi %mul3A_226, %add3A_214 : i32
      %dma_wait3A_228 = arith.constant 1 : i32
      %dma_wait3A_229 = arith.constant 0 : i32
      %dma_wait3A_230 = arith.constant 0 : i32
      %dma_wait3A_231 = tpu.memref_slice %arg7[%dma_wait3A_228, %dma_wait3A_229, %dma_wait3A_230] : memref<2x80x128xf32, #tpu.memory_space<vmem>> -> memref<1x80x128xf32, #tpu.memory_space<vmem>>
      %dma_wait3A_232 = tpu.memref_squeeze %dma_wait3A_231 : memref<1x80x128xf32, #tpu.memory_space<vmem>> -> memref<80x128xf32, #tpu.memory_space<vmem>>
      %dma_wait3A_233 = arith.constant 0 : i32
      %dma_wait3A_234 = arith.constant 0 : i32
      %dma_wait3A_235 = tpu.memref_slice %arg2[%add3A_227, %dma_wait3A_233, %dma_wait3A_234] : memref<4000x80x128xf32, #tpu.memory_space<hbm>> -> memref<1x80x128xf32, #tpu.memory_space<hbm>>
      %dma_wait3A_236 = tpu.memref_squeeze %dma_wait3A_235 : memref<1x80x128xf32, #tpu.memory_space<hbm>> -> memref<80x128xf32, #tpu.memory_space<hbm>>
      %dma_wait3A_237 = arith.constant 0 : i32
      %dma_wait3A_238 = arith.constant 0 : i32
      %dma_wait3A_239 = tpu.memref_slice %arg7[%dma_wait3A_228, %dma_wait3A_237, %dma_wait3A_238] : memref<2x80x128xf32, #tpu.memory_space<vmem>> -> memref<1x80x128xf32, #tpu.memory_space<vmem>>
      %dma_wait3A_240 = tpu.memref_squeeze %dma_wait3A_239 : memref<1x80x128xf32, #tpu.memory_space<vmem>> -> memref<80x128xf32, #tpu.memory_space<vmem>>
      %dma_wait3A_241 = arith.constant 0 : i32
      %dma_wait3A_242 = arith.constant 0 : i32
      %dma_wait3A_243 = tpu.memref_slice %arg2[%add3A_227, %dma_wait3A_241, %dma_wait3A_242] : memref<4000x80x128xf32, #tpu.memory_space<hbm>> -> memref<1x80x128xf32, #tpu.memory_space<hbm>>
      %dma_wait3A_244 = tpu.memref_squeeze %dma_wait3A_243 : memref<1x80x128xf32, #tpu.memory_space<hbm>> -> memref<80x128xf32, #tpu.memory_space<hbm>>
      tpu.wait_dma2 semaphore(%arg11 : memref<!tpu.dma_semaphore, #tpu.memory_space<semaphore_mem>>) src(%dma_wait3A_244 : memref<80x128xf32, #tpu.memory_space<hbm>>) dst(%dma_wait3A_240 : memref<80x128xf32, #tpu.memory_space<vmem>>)
      %dma_wait3A_245 = arith.constant 1 : i32
      %dma_wait3A_246 = arith.constant 0 : i32
      %dma_wait3A_247 = arith.constant 0 : i32
      %dma_wait3A_248 = tpu.memref_slice %arg8[%dma_wait3A_245, %dma_wait3A_246, %dma_wait3A_247] : memref<2x80x128xf32, #tpu.memory_space<vmem>> -> memref<1x80x128xf32, #tpu.memory_space<vmem>>
      %dma_wait3A_249 = tpu.memref_squeeze %dma_wait3A_248 : memref<1x80x128xf32, #tpu.memory_space<vmem>> -> memref<80x128xf32, #tpu.memory_space<vmem>>
      %dma_wait3A_250 = arith.constant 0 : i32
      %dma_wait3A_251 = tpu.memref_slice %arg6[%add3A_214, %dma_wait3A_250] : memref<125x80xi32, #tpu.memory_space<vmem>> -> memref<1x80xi32, #tpu.memory_space<vmem>>
      %dma_wait3A_252 = tpu.memref_squeeze %dma_wait3A_251 : memref<1x80xi32, #tpu.memory_space<vmem>> -> memref<80xi32, #tpu.memory_space<vmem>>
      %dma_wait3A_253 = arith.constant 0 : i32
      %dma_wait3A_254 = arith.constant 0 : i32
      %dma_wait3A_255 = tpu.memref_slice %arg9[%dma_wait3A_253, %dma_wait3A_254] : memref<1024x128xf32, #tpu.memory_space<vmem_shared>> -> memref<1024x128xf32, #tpu.memory_space<vmem_shared>>
      tpu.wait_indirect_dma semaphore(%arg13 : memref<!tpu.dma_semaphore, #tpu.memory_space<semaphore_mem>>) src(%dma_wait3A_255 : memref<1024x128xf32, #tpu.memory_space<vmem_shared>>) dst(%dma_wait3A_249 : memref<80x128xf32, #tpu.memory_space<vmem>>)
      %scan3A_256 = arith.constant 0 : i32
      %scan3A_257 = arith.constant 0 : i32
      %scan3A_258 = arith.constant 80 : i32
      %scan3A_259 = arith.addi %scan3A_257, %scan3A_258 : i32
      %scan3A_260 = arith.constant 1 : i32
      scf.for %scan3A_282 = %scan3A_257 to %scan3A_259 step %scan3A_260  : i32 {
        %get3A = arith.constant 1 : i32
        %get3A_283 = arith.index_cast %get3A : i32 to index
        %get3A_284 = arith.index_cast %scan3A_282 : i32 to index
        %get3A_285 = arith.constant 0 : index
        %get3A_286 = tpu.vector_load %arg7[%get3A_283, %get3A_284, %get3A_285] {strides = array<i32>} : memref<2x80x128xf32, #tpu.memory_space<vmem>>, vector<1x1x16xf32>,
        %get3A_287 = vector.shape_cast %get3A_286 : vector<1x1x16xf32> to vector<16xf32>
        %get3A_288 = arith.constant 1 : i32
        %get3A_289 = arith.index_cast %get3A_288 : i32 to index
        %get3A_290 = arith.index_cast %scan3A_282 : i32 to index
        %get3A_291 = arith.constant 0 : index
        %get3A_292 = tpu.vector_load %arg8[%get3A_289, %get3A_290, %get3A_291] {strides = array<i32>} : memref<2x80x128xf32, #tpu.memory_space<vmem>>, vector<1x1x16xf32>,
        %get3A_293 = vector.shape_cast %get3A_292 : vector<1x1x16xf32> to vector<16xf32>
        %mul3A_294 = arith.mulf %get3A_287, %get3A_293 : vector<16xf32>
        %swap3A = arith.constant 1 : i32
        %swap3A_295 = arith.index_cast %swap3A : i32 to index
        %swap3A_296 = arith.index_cast %scan3A_282 : i32 to index
        %swap3A_297 = arith.constant 0 : index
        %swap3A_298 = tpu.vector_load %arg7[%swap3A_295, %swap3A_296, %swap3A_297] {strides = array<i32>} : memref<2x80x128xf32, #tpu.memory_space<vmem>>, vector<1x1x16xf32>,
        %swap3A_299 = vector.shape_cast %swap3A_298 : vector<1x1x16xf32> to vector<16xf32>
        %swap3A_300 = vector.shape_cast %mul3A_294 : vector<16xf32> to vector<1x1x16xf32>
        tpu.vector_store %arg7[%swap3A_295, %swap3A_296, %swap3A_297], %swap3A_300 {strides = array<i32>} : memref<2x80x128xf32, #tpu.memory_space<vmem>>, vector<1x1x16xf32>,
        %get3A_301 = arith.constant 1 : i32
        %get3A_302 = arith.index_cast %get3A_301 : i32 to index
        %get3A_303 = arith.index_cast %scan3A_282 : i32 to index
        %get3A_304 = arith.constant 16 : index
        %get3A_305 = tpu.vector_load %arg7[%get3A_302, %get3A_303, %get3A_304] {strides = array<i32>} : memref<2x80x128xf32, #tpu.memory_space<vmem>>, vector<1x1x16xf32>,
        %get3A_306 = vector.shape_cast %get3A_305 : vector<1x1x16xf32> to vector<16xf32>
        %get3A_307 = arith.constant 1 : i32
        %get3A_308 = arith.index_cast %get3A_307 : i32 to index
        %get3A_309 = arith.index_cast %scan3A_282 : i32 to index
        %get3A_310 = arith.constant 16 : index
        %get3A_311 = tpu.vector_load %arg8[%get3A_308, %get3A_309, %get3A_310] {strides = array<i32>} : memref<2x80x128xf32, #tpu.memory_space<vmem>>, vector<1x1x16xf32>,
        %get3A_312 = vector.shape_cast %get3A_311 : vector<1x1x16xf32> to vector<16xf32>
        %mul3A_313 = arith.mulf %get3A_306, %get3A_312 : vector<16xf32>
        %swap3A_314 = arith.constant 1 : i32
        %swap3A_315 = arith.index_cast %swap3A_314 : i32 to index
        %swap3A_316 = arith.index_cast %scan3A_282 : i32 to index
        %swap3A_317 = arith.constant 16 : index
        %swap3A_318 = tpu.vector_load %arg7[%swap3A_315, %swap3A_316, %swap3A_317] {strides = array<i32>} : memref<2x80x128xf32, #tpu.memory_space<vmem>>, vector<1x1x16xf32>,
        %swap3A_319 = vector.shape_cast %swap3A_318 : vector<1x1x16xf32> to vector<16xf32>
        %swap3A_320 = vector.shape_cast %mul3A_313 : vector<16xf32> to vector<1x1x16xf32>
        tpu.vector_store %arg7[%swap3A_315, %swap3A_316, %swap3A_317], %swap3A_320 {strides = array<i32>} : memref<2x80x128xf32, #tpu.memory_space<vmem>>, vector<1x1x16xf32>,
        %get3A_321 = arith.constant 1 : i32
        %get3A_322 = arith.index_cast %get3A_321 : i32 to index
        %get3A_323 = arith.index_cast %scan3A_282 : i32 to index
        %get3A_324 = arith.constant 32 : index
        %get3A_325 = tpu.vector_load %arg7[%get3A_322, %get3A_323, %get3A_324] {strides = array<i32>} : memref<2x80x128xf32, #tpu.memory_space<vmem>>, vector<1x1x16xf32>,
        %get3A_326 = vector.shape_cast %get3A_325 : vector<1x1x16xf32> to vector<16xf32>
        %get3A_327 = arith.constant 1 : i32
        %get3A_328 = arith.index_cast %get3A_327 : i32 to index
        %get3A_329 = arith.index_cast %scan3A_282 : i32 to index
        %get3A_330 = arith.constant 32 : index
        %get3A_331 = tpu.vector_load %arg8[%get3A_328, %get3A_329, %get3A_330] {strides = array<i32>} : memref<2x80x128xf32, #tpu.memory_space<vmem>>, vector<1x1x16xf32>,
        %get3A_332 = vector.shape_cast %get3A_331 : vector<1x1x16xf32> to vector<16xf32>
        %mul3A_333 = arith.mulf %get3A_326, %get3A_332 : vector<16xf32>
        %swap3A_334 = arith.constant 1 : i32
        %swap3A_335 = arith.index_cast %swap3A_334 : i32 to index
        %swap3A_336 = arith.index_cast %scan3A_282 : i32 to index
        %swap3A_337 = arith.constant 32 : index
        %swap3A_338 = tpu.vector_load %arg7[%swap3A_335, %swap3A_336, %swap3A_337] {strides = array<i32>} : memref<2x80x128xf32, #tpu.memory_space<vmem>>, vector<1x1x16xf32>,
        %swap3A_339 = vector.shape_cast %swap3A_338 : vector<1x1x16xf32> to vector<16xf32>
        %swap3A_340 = vector.shape_cast %mul3A_333 : vector<16xf32> to vector<1x1x16xf32>
        tpu.vector_store %arg7[%swap3A_335, %swap3A_336, %swap3A_337], %swap3A_340 {strides = array<i32>} : memref<2x80x128xf32, #tpu.memory_space<vmem>>, vector<1x1x16xf32>,
        %get3A_341 = arith.constant 1 : i32
        %get3A_342 = arith.index_cast %get3A_341 : i32 to index
        %get3A_343 = arith.index_cast %scan3A_282 : i32 to index
        %get3A_344 = arith.constant 48 : index
        %get3A_345 = tpu.vector_load %arg7[%get3A_342, %get3A_343, %get3A_344] {strides = array<i32>} : memref<2x80x128xf32, #tpu.memory_space<vmem>>, vector<1x1x16xf32>,
        %get3A_346 = vector.shape_cast %get3A_345 : vector<1x1x16xf32> to vector<16xf32>
        %get3A_347 = arith.constant 1 : i32
        %get3A_348 = arith.index_cast %get3A_347 : i32 to index
        %get3A_349 = arith.index_cast %scan3A_282 : i32 to index
        %get3A_350 = arith.constant 48 : index
        %get3A_351 = tpu.vector_load %arg8[%get3A_348, %get3A_349, %get3A_350] {strides = array<i32>} : memref<2x80x128xf32, #tpu.memory_space<vmem>>, vector<1x1x16xf32>,
        %get3A_352 = vector.shape_cast %get3A_351 : vector<1x1x16xf32> to vector<16xf32>
        %mul3A_353 = arith.mulf %get3A_346, %get3A_352 : vector<16xf32>
        %swap3A_354 = arith.constant 1 : i32
        %swap3A_355 = arith.index_cast %swap3A_354 : i32 to index
        %swap3A_356 = arith.index_cast %scan3A_282 : i32 to index
        %swap3A_357 = arith.constant 48 : index
        %swap3A_358 = tpu.vector_load %arg7[%swap3A_355, %swap3A_356, %swap3A_357] {strides = array<i32>} : memref<2x80x128xf32, #tpu.memory_space<vmem>>, vector<1x1x16xf32>,
        %swap3A_359 = vector.shape_cast %swap3A_358 : vector<1x1x16xf32> to vector<16xf32>
        %swap3A_360 = vector.shape_cast %mul3A_353 : vector<16xf32> to vector<1x1x16xf32>
        tpu.vector_store %arg7[%swap3A_355, %swap3A_356, %swap3A_357], %swap3A_360 {strides = array<i32>} : memref<2x80x128xf32, #tpu.memory_space<vmem>>, vector<1x1x16xf32>,
        %get3A_361 = arith.constant 1 : i32
        %get3A_362 = arith.index_cast %get3A_361 : i32 to index
        %get3A_363 = arith.index_cast %scan3A_282 : i32 to index
        %get3A_364 = arith.constant 64 : index
        %get3A_365 = tpu.vector_load %arg7[%get3A_362, %get3A_363, %get3A_364] {strides = array<i32>} : memref<2x80x128xf32, #tpu.memory_space<vmem>>, vector<1x1x16xf32>,
        %get3A_366 = vector.shape_cast %get3A_365 : vector<1x1x16xf32> to vector<16xf32>
        %get3A_367 = arith.constant 1 : i32
        %get3A_368 = arith.index_cast %get3A_367 : i32 to index
        %get3A_369 = arith.index_cast %scan3A_282 : i32 to index
        %get3A_370 = arith.constant 64 : index
        %get3A_371 = tpu.vector_load %arg8[%get3A_368, %get3A_369, %get3A_370] {strides = array<i32>} : memref<2x80x128xf32, #tpu.memory_space<vmem>>, vector<1x1x16xf32>,
        %get3A_372 = vector.shape_cast %get3A_371 : vector<1x1x16xf32> to vector<16xf32>
        %mul3A_373 = arith.mulf %get3A_366, %get3A_372 : vector<16xf32>
        %swap3A_374 = arith.constant 1 : i32
        %swap3A_375 = arith.index_cast %swap3A_374 : i32 to index
        %swap3A_376 = arith.index_cast %scan3A_282 : i32 to index
        %swap3A_377 = arith.constant 64 : index
        %swap3A_378 = tpu.vector_load %arg7[%swap3A_375, %swap3A_376, %swap3A_377] {strides = array<i32>} : memref<2x80x128xf32, #tpu.memory_space<vmem>>, vector<1x1x16xf32>,
        %swap3A_379 = vector.shape_cast %swap3A_378 : vector<1x1x16xf32> to vector<16xf32>
        %swap3A_380 = vector.shape_cast %mul3A_373 : vector<16xf32> to vector<1x1x16xf32>
        tpu.vector_store %arg7[%swap3A_375, %swap3A_376, %swap3A_377], %swap3A_380 {strides = array<i32>} : memref<2x80x128xf32, #tpu.memory_space<vmem>>, vector<1x1x16xf32>,
        %get3A_381 = arith.constant 1 : i32
        %get3A_382 = arith.index_cast %get3A_381 : i32 to index
        %get3A_383 = arith.index_cast %scan3A_282 : i32 to index
        %get3A_384 = arith.constant 80 : index
        %get3A_385 = tpu.vector_load %arg7[%get3A_382, %get3A_383, %get3A_384] {strides = array<i32>} : memref<2x80x128xf32, #tpu.memory_space<vmem>>, vector<1x1x16xf32>,
        %get3A_386 = vector.shape_cast %get3A_385 : vector<1x1x16xf32> to vector<16xf32>
        %get3A_387 = arith.constant 1 : i32
        %get3A_388 = arith.index_cast %get3A_387 : i32 to index
        %get3A_389 = arith.index_cast %scan3A_282 : i32 to index
        %get3A_390 = arith.constant 80 : index
        %get3A_391 = tpu.vector_load %arg8[%get3A_388, %get3A_389, %get3A_390] {strides = array<i32>} : memref<2x80x128xf32, #tpu.memory_space<vmem>>, vector<1x1x16xf32>,
        %get3A_392 = vector.shape_cast %get3A_391 : vector<1x1x16xf32> to vector<16xf32>
        %mul3A_393 = arith.mulf %get3A_386, %get3A_392 : vector<16xf32>
        %swap3A_394 = arith.constant 1 : i32
        %swap3A_395 = arith.index_cast %swap3A_394 : i32 to index
        %swap3A_396 = arith.index_cast %scan3A_282 : i32 to index
        %swap3A_397 = arith.constant 80 : index
        %swap3A_398 = tpu.vector_load %arg7[%swap3A_395, %swap3A_396, %swap3A_397] {strides = array<i32>} : memref<2x80x128xf32, #tpu.memory_space<vmem>>, vector<1x1x16xf32>,
        %swap3A_399 = vector.shape_cast %swap3A_398 : vector<1x1x16xf32> to vector<16xf32>
        %swap3A_400 = vector.shape_cast %mul3A_393 : vector<16xf32> to vector<1x1x16xf32>
        tpu.vector_store %arg7[%swap3A_395, %swap3A_396, %swap3A_397], %swap3A_400 {strides = array<i32>} : memref<2x80x128xf32, #tpu.memory_space<vmem>>, vector<1x1x16xf32>,
        %get3A_401 = arith.constant 1 : i32
        %get3A_402 = arith.index_cast %get3A_401 : i32 to index
        %get3A_403 = arith.index_cast %scan3A_282 : i32 to index
        %get3A_404 = arith.constant 96 : index
        %get3A_405 = tpu.vector_load %arg7[%get3A_402, %get3A_403, %get3A_404] {strides = array<i32>} : memref<2x80x128xf32, #tpu.memory_space<vmem>>, vector<1x1x16xf32>,
        %get3A_406 = vector.shape_cast %get3A_405 : vector<1x1x16xf32> to vector<16xf32>
        %get3A_407 = arith.constant 1 : i32
        %get3A_408 = arith.index_cast %get3A_407 : i32 to index
        %get3A_409 = arith.index_cast %scan3A_282 : i32 to index
        %get3A_410 = arith.constant 96 : index
        %get3A_411 = tpu.vector_load %arg8[%get3A_408, %get3A_409, %get3A_410] {strides = array<i32>} : memref<2x80x128xf32, #tpu.memory_space<vmem>>, vector<1x1x16xf32>,
        %get3A_412 = vector.shape_cast %get3A_411 : vector<1x1x16xf32> to vector<16xf32>
        %mul3A_413 = arith.mulf %get3A_406, %get3A_412 : vector<16xf32>
        %swap3A_414 = arith.constant 1 : i32
        %swap3A_415 = arith.index_cast %swap3A_414 : i32 to index
        %swap3A_416 = arith.index_cast %scan3A_282 : i32 to index
        %swap3A_417 = arith.constant 96 : index
        %swap3A_418 = tpu.vector_load %arg7[%swap3A_415, %swap3A_416, %swap3A_417] {strides = array<i32>} : memref<2x80x128xf32, #tpu.memory_space<vmem>>, vector<1x1x16xf32>,
        %swap3A_419 = vector.shape_cast %swap3A_418 : vector<1x1x16xf32> to vector<16xf32>
        %swap3A_420 = vector.shape_cast %mul3A_413 : vector<16xf32> to vector<1x1x16xf32>
        tpu.vector_store %arg7[%swap3A_415, %swap3A_416, %swap3A_417], %swap3A_420 {strides = array<i32>} : memref<2x80x128xf32, #tpu.memory_space<vmem>>, vector<1x1x16xf32>,
        %get3A_421 = arith.constant 1 : i32
        %get3A_422 = arith.index_cast %get3A_421 : i32 to index
        %get3A_423 = arith.index_cast %scan3A_282 : i32 to index
        %get3A_424 = arith.constant 112 : index
        %get3A_425 = tpu.vector_load %arg7[%get3A_422, %get3A_423, %get3A_424] {strides = array<i32>} : memref<2x80x128xf32, #tpu.memory_space<vmem>>, vector<1x1x16xf32>,
        %get3A_426 = vector.shape_cast %get3A_425 : vector<1x1x16xf32> to vector<16xf32>
        %get3A_427 = arith.constant 1 : i32
        %get3A_428 = arith.index_cast %get3A_427 : i32 to index
        %get3A_429 = arith.index_cast %scan3A_282 : i32 to index
        %get3A_430 = arith.constant 112 : index
        %get3A_431 = tpu.vector_load %arg8[%get3A_428, %get3A_429, %get3A_430] {strides = array<i32>} : memref<2x80x128xf32, #tpu.memory_space<vmem>>, vector<1x1x16xf32>,
        %get3A_432 = vector.shape_cast %get3A_431 : vector<1x1x16xf32> to vector<16xf32>
        %mul3A_433 = arith.mulf %get3A_426, %get3A_432 : vector<16xf32>
        %swap3A_434 = arith.constant 1 : i32
        %swap3A_435 = arith.index_cast %swap3A_434 : i32 to index
        %swap3A_436 = arith.index_cast %scan3A_282 : i32 to index
        %swap3A_437 = arith.constant 112 : index
        %swap3A_438 = tpu.vector_load %arg7[%swap3A_435, %swap3A_436, %swap3A_437] {strides = array<i32>} : memref<2x80x128xf32, #tpu.memory_space<vmem>>, vector<1x1x16xf32>,
        %swap3A_439 = vector.shape_cast %swap3A_438 : vector<1x1x16xf32> to vector<16xf32>
        %swap3A_440 = vector.shape_cast %mul3A_433 : vector<16xf32> to vector<1x1x16xf32>
        tpu.vector_store %arg7[%swap3A_435, %swap3A_436, %swap3A_437], %swap3A_440 {strides = array<i32>} : memref<2x80x128xf32, #tpu.memory_space<vmem>>, vector<1x1x16xf32>,
      }
      %scan3A_261 = arith.constant 80 : i32
      %mul3A_262 = arith.constant 125 : i32
      %mul3A_263 = arith.muli %add3A, %mul3A_262 : i32
      %add3A_264 = arith.addi %mul3A_263, %add3A_214 : i32
      %dma_start3A_265 = arith.constant 1 : i32
      %dma_start3A_266 = arith.constant 0 : i32
      %dma_start3A_267 = arith.constant 0 : i32
      %dma_start3A_268 = tpu.memref_slice %arg7[%dma_start3A_265, %dma_start3A_266, %dma_start3A_267] : memref<2x80x128xf32, #tpu.memory_space<vmem>> -> memref<1x80x128xf32, #tpu.memory_space<vmem>>
      %dma_start3A_269 = tpu.memref_squeeze %dma_start3A_268 : memref<1x80x128xf32, #tpu.memory_space<vmem>> -> memref<80x128xf32, #tpu.memory_space<vmem>>
      %dma_start3A_270 = arith.constant 0 : i32
      %dma_start3A_271 = arith.constant 0 : i32
      %dma_start3A_272 = tpu.memref_slice %arg5[%add3A_264, %dma_start3A_270, %dma_start3A_271] : memref<4000x80x128xf32, #tpu.memory_space<hbm>> -> memref<1x80x128xf32, #tpu.memory_space<hbm>>
      %dma_start3A_273 = tpu.memref_squeeze %dma_start3A_272 : memref<1x80x128xf32, #tpu.memory_space<hbm>> -> memref<80x128xf32, #tpu.memory_space<hbm>>
      %dma_start3A_274 = arith.constant 0 : i32
      %dma_start3A_275 = arith.constant 0 : i32
      %dma_start3A_276 = tpu.memref_slice %arg5[%add3A_264, %dma_start3A_274, %dma_start3A_275] : memref<4000x80x128xf32, #tpu.memory_space<hbm>> -> memref<1x80x128xf32, #tpu.memory_space<hbm>>
      %dma_start3A_277 = tpu.memref_squeeze %dma_start3A_276 : memref<1x80x128xf32, #tpu.memory_space<hbm>> -> memref<80x128xf32, #tpu.memory_space<hbm>>
      %dma_start3A_278 = arith.constant 0 : i32
      %dma_start3A_279 = arith.constant 0 : i32
      %dma_start3A_280 = tpu.memref_slice %arg7[%dma_start3A_265, %dma_start3A_278, %dma_start3A_279] : memref<2x80x128xf32, #tpu.memory_space<vmem>> -> memref<1x80x128xf32, #tpu.memory_space<vmem>>
      %dma_start3A_281 = tpu.memref_squeeze %dma_start3A_280 : memref<1x80x128xf32, #tpu.memory_space<vmem>> -> memref<80x128xf32, #tpu.memory_space<vmem>>
      tpu.enqueue_dma source(%dma_start3A_281 : memref<80x128xf32, #tpu.memory_space<vmem>>) target(%dma_start3A_277 : memref<80x128xf32, #tpu.memory_space<hbm>>) target_semaphore(%arg15 : memref<!tpu.dma_semaphore, #tpu.memory_space<semaphore_mem>>)
    }
    %scan3A_41 = arith.constant 62 : i32
    %mul3A_42 = arith.constant 125 : i32
    %mul3A_43 = arith.muli %add3A, %mul3A_42 : i32
    %add3A_44 = arith.constant 123 : i32
    %add3A_45 = arith.addi %mul3A_43, %add3A_44 : i32
    %dma_wait3A = arith.constant 1 : i32
    %dma_wait3A_46 = arith.constant 0 : i32
    %dma_wait3A_47 = arith.constant 0 : i32
    %dma_wait3A_48 = tpu.memref_slice %arg7[%dma_wait3A, %dma_wait3A_46, %dma_wait3A_47] : memref<2x80x128xf32, #tpu.memory_space<vmem>> -> memref<1x80x128xf32, #tpu.memory_space<vmem>>
    %dma_wait3A_49 = tpu.memref_squeeze %dma_wait3A_48 : memref<1x80x128xf32, #tpu.memory_space<vmem>> -> memref<80x128xf32, #tpu.memory_space<vmem>>
    %dma_wait3A_50 = arith.constant 0 : i32
    %dma_wait3A_51 = arith.constant 0 : i32
    %dma_wait3A_52 = tpu.memref_slice %arg5[%add3A_45, %dma_wait3A_50, %dma_wait3A_51] : memref<4000x80x128xf32, #tpu.memory_space<hbm>> -> memref<1x80x128xf32, #tpu.memory_space<hbm>>
    %dma_wait3A_53 = tpu.memref_squeeze %dma_wait3A_52 : memref<1x80x128xf32, #tpu.memory_space<hbm>> -> memref<80x128xf32, #tpu.memory_space<hbm>>
    %dma_wait3A_54 = arith.constant 0 : i32
    %dma_wait3A_55 = arith.constant 0 : i32
    %dma_wait3A_56 = tpu.memref_slice %arg5[%add3A_45, %dma_wait3A_54, %dma_wait3A_55] : memref<4000x80x128xf32, #tpu.memory_space<hbm>> -> memref<1x80x128xf32, #tpu.memory_space<hbm>>
    %dma_wait3A_57 = tpu.memref_squeeze %dma_wait3A_56 : memref<1x80x128xf32, #tpu.memory_space<hbm>> -> memref<80x128xf32, #tpu.memory_space<hbm>>
    %dma_wait3A_58 = arith.constant 0 : i32
    %dma_wait3A_59 = arith.constant 0 : i32
    %dma_wait3A_60 = tpu.memref_slice %arg7[%dma_wait3A, %dma_wait3A_58, %dma_wait3A_59] : memref<2x80x128xf32, #tpu.memory_space<vmem>> -> memref<1x80x128xf32, #tpu.memory_space<vmem>>
    %dma_wait3A_61 = tpu.memref_squeeze %dma_wait3A_60 : memref<1x80x128xf32, #tpu.memory_space<vmem>> -> memref<80x128xf32, #tpu.memory_space<vmem>>
    tpu.wait_dma2 semaphore(%arg15 : memref<!tpu.dma_semaphore, #tpu.memory_space<semaphore_mem>>) src(%dma_wait3A_61 : memref<80x128xf32, #tpu.memory_space<vmem>>) dst(%dma_wait3A_57 : memref<80x128xf32, #tpu.memory_space<hbm>>)
    %mul3A_62 = arith.constant 125 : i32
    %mul3A_63 = arith.muli %add3A, %mul3A_62 : i32
    %add3A_64 = arith.constant 124 : i32
    %add3A_65 = arith.addi %mul3A_63, %add3A_64 : i32
    %dma_wait3A_66 = arith.constant 0 : i32
    %dma_wait3A_67 = arith.constant 0 : i32
    %dma_wait3A_68 = arith.constant 0 : i32
    %dma_wait3A_69 = tpu.memref_slice %arg7[%dma_wait3A_66, %dma_wait3A_67, %dma_wait3A_68] : memref<2x80x128xf32, #tpu.memory_space<vmem>> -> memref<1x80x128xf32, #tpu.memory_space<vmem>>
    %dma_wait3A_70 = tpu.memref_squeeze %dma_wait3A_69 : memref<1x80x128xf32, #tpu.memory_space<vmem>> -> memref<80x128xf32, #tpu.memory_space<vmem>>
    %dma_wait3A_71 = arith.constant 0 : i32
    %dma_wait3A_72 = arith.constant 0 : i32
    %dma_wait3A_73 = tpu.memref_slice %arg2[%add3A_65, %dma_wait3A_71, %dma_wait3A_72] : memref<4000x80x128xf32, #tpu.memory_space<hbm>> -> memref<1x80x128xf32, #tpu.memory_space<hbm>>
    %dma_wait3A_74 = tpu.memref_squeeze %dma_wait3A_73 : memref<1x80x128xf32, #tpu.memory_space<hbm>> -> memref<80x128xf32, #tpu.memory_space<hbm>>
    %dma_wait3A_75 = arith.constant 0 : i32
    %dma_wait3A_76 = arith.constant 0 : i32
    %dma_wait3A_77 = tpu.memref_slice %arg7[%dma_wait3A_66, %dma_wait3A_75, %dma_wait3A_76] : memref<2x80x128xf32, #tpu.memory_space<vmem>> -> memref<1x80x128xf32, #tpu.memory_space<vmem>>
    %dma_wait3A_78 = tpu.memref_squeeze %dma_wait3A_77 : memref<1x80x128xf32, #tpu.memory_space<vmem>> -> memref<80x128xf32, #tpu.memory_space<vmem>>
    %dma_wait3A_79 = arith.constant 0 : i32
    %dma_wait3A_80 = arith.constant 0 : i32
    %dma_wait3A_81 = tpu.memref_slice %arg2[%add3A_65, %dma_wait3A_79, %dma_wait3A_80] : memref<4000x80x128xf32, #tpu.memory_space<hbm>> -> memref<1x80x128xf32, #tpu.memory_space<hbm>>
    %dma_wait3A_82 = tpu.memref_squeeze %dma_wait3A_81 : memref<1x80x128xf32, #tpu.memory_space<hbm>> -> memref<80x128xf32, #tpu.memory_space<hbm>>
    tpu.wait_dma2 semaphore(%arg10 : memref<!tpu.dma_semaphore, #tpu.memory_space<semaphore_mem>>) src(%dma_wait3A_82 : memref<80x128xf32, #tpu.memory_space<hbm>>) dst(%dma_wait3A_78 : memref<80x128xf32, #tpu.memory_space<vmem>>)
    %dma_wait3A_83 = arith.constant 124 : i32
    %dma_wait3A_84 = arith.constant 0 : i32
    %dma_wait3A_85 = arith.constant 0 : i32
    %dma_wait3A_86 = arith.constant 0 : i32
    %dma_wait3A_87 = tpu.memref_slice %arg8[%dma_wait3A_84, %dma_wait3A_85, %dma_wait3A_86] : memref<2x80x128xf32, #tpu.memory_space<vmem>> -> memref<1x80x128xf32, #tpu.memory_space<vmem>>
    %dma_wait3A_88 = tpu.memref_squeeze %dma_wait3A_87 : memref<1x80x128xf32, #tpu.memory_space<vmem>> -> memref<80x128xf32, #tpu.memory_space<vmem>>
    %dma_wait3A_89 = arith.constant 0 : i32
    %dma_wait3A_90 = tpu.memref_slice %arg6[%dma_wait3A_83, %dma_wait3A_89] : memref<125x80xi32, #tpu.memory_space<vmem>> -> memref<1x80xi32, #tpu.memory_space<vmem>>
    %dma_wait3A_91 = tpu.memref_squeeze %dma_wait3A_90 : memref<1x80xi32, #tpu.memory_space<vmem>> -> memref<80xi32, #tpu.memory_space<vmem>>
    %dma_wait3A_92 = arith.constant 0 : i32
    %dma_wait3A_93 = arith.constant 0 : i32
    %dma_wait3A_94 = tpu.memref_slice %arg9[%dma_wait3A_92, %dma_wait3A_93] : memref<1024x128xf32, #tpu.memory_space<vmem_shared>> -> memref<1024x128xf32, #tpu.memory_space<vmem_shared>>
    tpu.wait_indirect_dma semaphore(%arg12 : memref<!tpu.dma_semaphore, #tpu.memory_space<semaphore_mem>>) src(%dma_wait3A_94 : memref<1024x128xf32, #tpu.memory_space<vmem_shared>>) dst(%dma_wait3A_88 : memref<80x128xf32, #tpu.memory_space<vmem>>)
    %scan3A_95 = arith.constant 0 : i32
    %scan3A_96 = arith.constant 0 : i32
    %scan3A_97 = arith.constant 80 : i32
    %scan3A_98 = arith.addi %scan3A_96, %scan3A_97 : i32
    %scan3A_99 = arith.constant 1 : i32
    scf.for %scan3A_143 = %scan3A_96 to %scan3A_98 step %scan3A_99  : i32 {
      %get3A = arith.constant 0 : i32
      %get3A_144 = arith.index_cast %get3A : i32 to index
      %get3A_145 = arith.index_cast %scan3A_143 : i32 to index
      %get3A_146 = arith.constant 0 : index
      %get3A_147 = tpu.vector_load %arg7[%get3A_144, %get3A_145, %get3A_146] {strides = array<i32>} : memref<2x80x128xf32, #tpu.memory_space<vmem>>, vector<1x1x16xf32>,
      %get3A_148 = vector.shape_cast %get3A_147 : vector<1x1x16xf32> to vector<16xf32>
      %get3A_149 = arith.constant 0 : i32
      %get3A_150 = arith.index_cast %get3A_149 : i32 to index
      %get3A_151 = arith.index_cast %scan3A_143 : i32 to index
      %get3A_152 = arith.constant 0 : index
      %get3A_153 = tpu.vector_load %arg8[%get3A_150, %get3A_151, %get3A_152] {strides = array<i32>} : memref<2x80x128xf32, #tpu.memory_space<vmem>>, vector<1x1x16xf32>,
      %get3A_154 = vector.shape_cast %get3A_153 : vector<1x1x16xf32> to vector<16xf32>
      %mul3A_155 = arith.mulf %get3A_148, %get3A_154 : vector<16xf32>
      %swap3A = arith.constant 0 : i32
      %swap3A_156 = arith.index_cast %swap3A : i32 to index
      %swap3A_157 = arith.index_cast %scan3A_143 : i32 to index
      %swap3A_158 = arith.constant 0 : index
      %swap3A_159 = tpu.vector_load %arg7[%swap3A_156, %swap3A_157, %swap3A_158] {strides = array<i32>} : memref<2x80x128xf32, #tpu.memory_space<vmem>>, vector<1x1x16xf32>,
      %swap3A_160 = vector.shape_cast %swap3A_159 : vector<1x1x16xf32> to vector<16xf32>
      %swap3A_161 = vector.shape_cast %mul3A_155 : vector<16xf32> to vector<1x1x16xf32>
      tpu.vector_store %arg7[%swap3A_156, %swap3A_157, %swap3A_158], %swap3A_161 {strides = array<i32>} : memref<2x80x128xf32, #tpu.memory_space<vmem>>, vector<1x1x16xf32>,
      %get3A_162 = arith.constant 0 : i32
      %get3A_163 = arith.index_cast %get3A_162 : i32 to index
      %get3A_164 = arith.index_cast %scan3A_143 : i32 to index
      %get3A_165 = arith.constant 16 : index
      %get3A_166 = tpu.vector_load %arg7[%get3A_163, %get3A_164, %get3A_165] {strides = array<i32>} : memref<2x80x128xf32, #tpu.memory_space<vmem>>, vector<1x1x16xf32>,
      %get3A_167 = vector.shape_cast %get3A_166 : vector<1x1x16xf32> to vector<16xf32>
      %get3A_168 = arith.constant 0 : i32
      %get3A_169 = arith.index_cast %get3A_168 : i32 to index
      %get3A_170 = arith.index_cast %scan3A_143 : i32 to index
      %get3A_171 = arith.constant 16 : index
      %get3A_172 = tpu.vector_load %arg8[%get3A_169, %get3A_170, %get3A_171] {strides = array<i32>} : memref<2x80x128xf32, #tpu.memory_space<vmem>>, vector<1x1x16xf32>,
      %get3A_173 = vector.shape_cast %get3A_172 : vector<1x1x16xf32> to vector<16xf32>
      %mul3A_174 = arith.mulf %get3A_167, %get3A_173 : vector<16xf32>
      %swap3A_175 = arith.constant 0 : i32
      %swap3A_176 = arith.index_cast %swap3A_175 : i32 to index
      %swap3A_177 = arith.index_cast %scan3A_143 : i32 to index
      %swap3A_178 = arith.constant 16 : index
      %swap3A_179 = tpu.vector_load %arg7[%swap3A_176, %swap3A_177, %swap3A_178] {strides = array<i32>} : memref<2x80x128xf32, #tpu.memory_space<vmem>>, vector<1x1x16xf32>,
      %swap3A_180 = vector.shape_cast %swap3A_179 : vector<1x1x16xf32> to vector<16xf32>
      %swap3A_181 = vector.shape_cast %mul3A_174 : vector<16xf32> to vector<1x1x16xf32>
      tpu.vector_store %arg7[%swap3A_176, %swap3A_177, %swap3A_178], %swap3A_181 {strides = array<i32>} : memref<2x80x128xf32, #tpu.memory_space<vmem>>, vector<1x1x16xf32>,
      %get3A_182 = arith.constant 0 : i32
      %get3A_183 = arith.index_cast %get3A_182 : i32 to index
      %get3A_184 = arith.index_cast %scan3A_143 : i32 to index
      %get3A_185 = arith.constant 32 : index
      %get3A_186 = tpu.vector_load %arg7[%get3A_183, %get3A_184, %get3A_185] {strides = array<i32>} : memref<2x80x128xf32, #tpu.memory_space<vmem>>, vector<1x1x16xf32>,
      %get3A_187 = vector.shape_cast %get3A_186 : vector<1x1x16xf32> to vector<16xf32>
      %get3A_188 = arith.constant 0 : i32
      %get3A_189 = arith.index_cast %get3A_188 : i32 to index
      %get3A_190 = arith.index_cast %scan3A_143 : i32 to index
      %get3A_191 = arith.constant 32 : index
      %get3A_192 = tpu.vector_load %arg8[%get3A_189, %get3A_190, %get3A_191] {strides = array<i32>} : memref<2x80x128xf32, #tpu.memory_space<vmem>>, vector<1x1x16xf32>,
      %get3A_193 = vector.shape_cast %get3A_192 : vector<1x1x16xf32> to vector<16xf32>
      %mul3A_194 = arith.mulf %get3A_187, %get3A_193 : vector<16xf32>
      %swap3A_195 = arith.constant 0 : i32
      %swap3A_196 = arith.index_cast %swap3A_195 : i32 to index
      %swap3A_197 = arith.index_cast %scan3A_143 : i32 to index
      %swap3A_198 = arith.constant 32 : index
      %swap3A_199 = tpu.vector_load %arg7[%swap3A_196, %swap3A_197, %swap3A_198] {strides = array<i32>} : memref<2x80x128xf32, #tpu.memory_space<vmem>>, vector<1x1x16xf32>,
      %swap3A_200 = vector.shape_cast %swap3A_199 : vector<1x1x16xf32> to vector<16xf32>
      %swap3A_201 = vector.shape_cast %mul3A_194 : vector<16xf32> to vector<1x1x16xf32>
      tpu.vector_store %arg7[%swap3A_196, %swap3A_197, %swap3A_198], %swap3A_201 {strides = array<i32>} : memref<2x80x128xf32, #tpu.memory_space<vmem>>, vector<1x1x16xf32>,
      %get3A_202 = arith.constant 0 : i32
      %get3A_203 = arith.index_cast %get3A_202 : i32 to index
      %get3A_204 = arith.index_cast %scan3A_143 : i32 to index
      %get3A_205 = arith.constant 48 : index
      %get3A_206 = tpu.vector_load %arg7[%get3A_203, %get3A_204, %get3A_205] {strides = array<i32>} : memref<2x80x128xf32, #tpu.memory_space<vmem>>, vector<1x1x16xf32>,
      %get3A_207 = vector.shape_cast %get3A_206 : vector<1x1x16xf32> to vector<16xf32>
      %get3A_208 = arith.constant 0 : i32
      %get3A_209 = arith.index_cast %get3A_208 : i32 to index
      %get3A_210 = arith.index_cast %scan3A_143 : i32 to index
      %get3A_211 = arith.constant 48 : index
      %get3A_212 = tpu.vector_load %arg8[%get3A_209, %get3A_210, %get3A_211] {strides = array<i32>} : memref<2x80x128xf32, #tpu.memory_space<vmem>>, vector<1x1x16xf32>,
      %get3A_213 = vector.shape_cast %get3A_212 : vector<1x1x16xf32> to vector<16xf32>
      %mul3A_214 = arith.mulf %get3A_207, %get3A_213 : vector<16xf32>
      %swap3A_215 = arith.constant 0 : i32
      %swap3A_216 = arith.index_cast %swap3A_215 : i32 to index
      %swap3A_217 = arith.index_cast %scan3A_143 : i32 to index
      %swap3A_218 = arith.constant 48 : index
      %swap3A_219 = tpu.vector_load %arg7[%swap3A_216, %swap3A_217, %swap3A_218] {strides = array<i32>} : memref<2x80x128xf32, #tpu.memory_space<vmem>>, vector<1x1x16xf32>,
      %swap3A_220 = vector.shape_cast %swap3A_219 : vector<1x1x16xf32> to vector<16xf32>
      %swap3A_221 = vector.shape_cast %mul3A_214 : vector<16xf32> to vector<1x1x16xf32>
      tpu.vector_store %arg7[%swap3A_216, %swap3A_217, %swap3A_218], %swap3A_221 {strides = array<i32>} : memref<2x80x128xf32, #tpu.memory_space<vmem>>, vector<1x1x16xf32>,
      %get3A_222 = arith.constant 0 : i32
      %get3A_223 = arith.index_cast %get3A_222 : i32 to index
      %get3A_224 = arith.index_cast %scan3A_143 : i32 to index
      %get3A_225 = arith.constant 64 : index
      %get3A_226 = tpu.vector_load %arg7[%get3A_223, %get3A_224, %get3A_225] {strides = array<i32>} : memref<2x80x128xf32, #tpu.memory_space<vmem>>, vector<1x1x16xf32>,
      %get3A_227 = vector.shape_cast %get3A_226 : vector<1x1x16xf32> to vector<16xf32>
      %get3A_228 = arith.constant 0 : i32
      %get3A_229 = arith.index_cast %get3A_228 : i32 to index
      %get3A_230 = arith.index_cast %scan3A_143 : i32 to index
      %get3A_231 = arith.constant 64 : index
      %get3A_232 = tpu.vector_load %arg8[%get3A_229, %get3A_230, %get3A_231] {strides = array<i32>} : memref<2x80x128xf32, #tpu.memory_space<vmem>>, vector<1x1x16xf32>,
      %get3A_233 = vector.shape_cast %get3A_232 : vector<1x1x16xf32> to vector<16xf32>
      %mul3A_234 = arith.mulf %get3A_227, %get3A_233 : vector<16xf32>
      %swap3A_235 = arith.constant 0 : i32
      %swap3A_236 = arith.index_cast %swap3A_235 : i32 to index
      %swap3A_237 = arith.index_cast %scan3A_143 : i32 to index
      %swap3A_238 = arith.constant 64 : index
      %swap3A_239 = tpu.vector_load %arg7[%swap3A_236, %swap3A_237, %swap3A_238] {strides = array<i32>} : memref<2x80x128xf32, #tpu.memory_space<vmem>>, vector<1x1x16xf32>,
      %swap3A_240 = vector.shape_cast %swap3A_239 : vector<1x1x16xf32> to vector<16xf32>
      %swap3A_241 = vector.shape_cast %mul3A_234 : vector<16xf32> to vector<1x1x16xf32>
      tpu.vector_store %arg7[%swap3A_236, %swap3A_237, %swap3A_238], %swap3A_241 {strides = array<i32>} : memref<2x80x128xf32, #tpu.memory_space<vmem>>, vector<1x1x16xf32>,
      %get3A_242 = arith.constant 0 : i32
      %get3A_243 = arith.index_cast %get3A_242 : i32 to index
      %get3A_244 = arith.index_cast %scan3A_143 : i32 to index
      %get3A_245 = arith.constant 80 : index
      %get3A_246 = tpu.vector_load %arg7[%get3A_243, %get3A_244, %get3A_245] {strides = array<i32>} : memref<2x80x128xf32, #tpu.memory_space<vmem>>, vector<1x1x16xf32>,
      %get3A_247 = vector.shape_cast %get3A_246 : vector<1x1x16xf32> to vector<16xf32>
      %get3A_248 = arith.constant 0 : i32
      %get3A_249 = arith.index_cast %get3A_248 : i32 to index
      %get3A_250 = arith.index_cast %scan3A_143 : i32 to index
      %get3A_251 = arith.constant 80 : index
      %get3A_252 = tpu.vector_load %arg8[%get3A_249, %get3A_250, %get3A_251] {strides = array<i32>} : memref<2x80x128xf32, #tpu.memory_space<vmem>>, vector<1x1x16xf32>,
      %get3A_253 = vector.shape_cast %get3A_252 : vector<1x1x16xf32> to vector<16xf32>
      %mul3A_254 = arith.mulf %get3A_247, %get3A_253 : vector<16xf32>
      %swap3A_255 = arith.constant 0 : i32
      %swap3A_256 = arith.index_cast %swap3A_255 : i32 to index
      %swap3A_257 = arith.index_cast %scan3A_143 : i32 to index
      %swap3A_258 = arith.constant 80 : index
      %swap3A_259 = tpu.vector_load %arg7[%swap3A_256, %swap3A_257, %swap3A_258] {strides = array<i32>} : memref<2x80x128xf32, #tpu.memory_space<vmem>>, vector<1x1x16xf32>,
      %swap3A_260 = vector.shape_cast %swap3A_259 : vector<1x1x16xf32> to vector<16xf32>
      %swap3A_261 = vector.shape_cast %mul3A_254 : vector<16xf32> to vector<1x1x16xf32>
      tpu.vector_store %arg7[%swap3A_256, %swap3A_257, %swap3A_258], %swap3A_261 {strides = array<i32>} : memref<2x80x128xf32, #tpu.memory_space<vmem>>, vector<1x1x16xf32>,
      %get3A_262 = arith.constant 0 : i32
      %get3A_263 = arith.index_cast %get3A_262 : i32 to index
      %get3A_264 = arith.index_cast %scan3A_143 : i32 to index
      %get3A_265 = arith.constant 96 : index
      %get3A_266 = tpu.vector_load %arg7[%get3A_263, %get3A_264, %get3A_265] {strides = array<i32>} : memref<2x80x128xf32, #tpu.memory_space<vmem>>, vector<1x1x16xf32>,
      %get3A_267 = vector.shape_cast %get3A_266 : vector<1x1x16xf32> to vector<16xf32>
      %get3A_268 = arith.constant 0 : i32
      %get3A_269 = arith.index_cast %get3A_268 : i32 to index
      %get3A_270 = arith.index_cast %scan3A_143 : i32 to index
      %get3A_271 = arith.constant 96 : index
      %get3A_272 = tpu.vector_load %arg8[%get3A_269, %get3A_270, %get3A_271] {strides = array<i32>} : memref<2x80x128xf32, #tpu.memory_space<vmem>>, vector<1x1x16xf32>,
      %get3A_273 = vector.shape_cast %get3A_272 : vector<1x1x16xf32> to vector<16xf32>
      %mul3A_274 = arith.mulf %get3A_267, %get3A_273 : vector<16xf32>
      %swap3A_275 = arith.constant 0 : i32
      %swap3A_276 = arith.index_cast %swap3A_275 : i32 to index
      %swap3A_277 = arith.index_cast %scan3A_143 : i32 to index
      %swap3A_278 = arith.constant 96 : index
      %swap3A_279 = tpu.vector_load %arg7[%swap3A_276, %swap3A_277, %swap3A_278] {strides = array<i32>} : memref<2x80x128xf32, #tpu.memory_space<vmem>>, vector<1x1x16xf32>,
      %swap3A_280 = vector.shape_cast %swap3A_279 : vector<1x1x16xf32> to vector<16xf32>
      %swap3A_281 = vector.shape_cast %mul3A_274 : vector<16xf32> to vector<1x1x16xf32>
      tpu.vector_store %arg7[%swap3A_276, %swap3A_277, %swap3A_278], %swap3A_281 {strides = array<i32>} : memref<2x80x128xf32, #tpu.memory_space<vmem>>, vector<1x1x16xf32>,
      %get3A_282 = arith.constant 0 : i32
      %get3A_283 = arith.index_cast %get3A_282 : i32 to index
      %get3A_284 = arith.index_cast %scan3A_143 : i32 to index
      %get3A_285 = arith.constant 112 : index
      %get3A_286 = tpu.vector_load %arg7[%get3A_283, %get3A_284, %get3A_285] {strides = array<i32>} : memref<2x80x128xf32, #tpu.memory_space<vmem>>, vector<1x1x16xf32>,
      %get3A_287 = vector.shape_cast %get3A_286 : vector<1x1x16xf32> to vector<16xf32>
      %get3A_288 = arith.constant 0 : i32
      %get3A_289 = arith.index_cast %get3A_288 : i32 to index
      %get3A_290 = arith.index_cast %scan3A_143 : i32 to index
      %get3A_291 = arith.constant 112 : index
      %get3A_292 = tpu.vector_load %arg8[%get3A_289, %get3A_290, %get3A_291] {strides = array<i32>} : memref<2x80x128xf32, #tpu.memory_space<vmem>>, vector<1x1x16xf32>,
      %get3A_293 = vector.shape_cast %get3A_292 : vector<1x1x16xf32> to vector<16xf32>
      %mul3A_294 = arith.mulf %get3A_287, %get3A_293 : vector<16xf32>
      %swap3A_295 = arith.constant 0 : i32
      %swap3A_296 = arith.index_cast %swap3A_295 : i32 to index
      %swap3A_297 = arith.index_cast %scan3A_143 : i32 to index
      %swap3A_298 = arith.constant 112 : index
      %swap3A_299 = tpu.vector_load %arg7[%swap3A_296, %swap3A_297, %swap3A_298] {strides = array<i32>} : memref<2x80x128xf32, #tpu.memory_space<vmem>>, vector<1x1x16xf32>,
      %swap3A_300 = vector.shape_cast %swap3A_299 : vector<1x1x16xf32> to vector<16xf32>
      %swap3A_301 = vector.shape_cast %mul3A_294 : vector<16xf32> to vector<1x1x16xf32>
      tpu.vector_store %arg7[%swap3A_296, %swap3A_297, %swap3A_298], %swap3A_301 {strides = array<i32>} : memref<2x80x128xf32, #tpu.memory_space<vmem>>, vector<1x1x16xf32>,
    }
    %scan3A_100 = arith.constant 80 : i32
    %mul3A_101 = arith.constant 125 : i32
    %mul3A_102 = arith.muli %add3A, %mul3A_101 : i32
    %add3A_103 = arith.constant 124 : i32
    %add3A_104 = arith.addi %mul3A_102, %add3A_103 : i32
    %dma_start3A_105 = arith.constant 0 : i32
    %dma_start3A_106 = arith.constant 0 : i32
    %dma_start3A_107 = arith.constant 0 : i32
    %dma_start3A_108 = tpu.memref_slice %arg7[%dma_start3A_105, %dma_start3A_106, %dma_start3A_107] : memref<2x80x128xf32, #tpu.memory_space<vmem>> -> memref<1x80x128xf32, #tpu.memory_space<vmem>>
    %dma_start3A_109 = tpu.memref_squeeze %dma_start3A_108 : memref<1x80x128xf32, #tpu.memory_space<vmem>> -> memref<80x128xf32, #tpu.memory_space<vmem>>
    %dma_start3A_110 = arith.constant 0 : i32
    %dma_start3A_111 = arith.constant 0 : i32
    %dma_start3A_112 = tpu.memref_slice %arg5[%add3A_104, %dma_start3A_110, %dma_start3A_111] : memref<4000x80x128xf32, #tpu.memory_space<hbm>> -> memref<1x80x128xf32, #tpu.memory_space<hbm>>
    %dma_start3A_113 = tpu.memref_squeeze %dma_start3A_112 : memref<1x80x128xf32, #tpu.memory_space<hbm>> -> memref<80x128xf32, #tpu.memory_space<hbm>>
    %dma_start3A_114 = arith.constant 0 : i32
    %dma_start3A_115 = arith.constant 0 : i32
    %dma_start3A_116 = tpu.memref_slice %arg5[%add3A_104, %dma_start3A_114, %dma_start3A_115] : memref<4000x80x128xf32, #tpu.memory_space<hbm>> -> memref<1x80x128xf32, #tpu.memory_space<hbm>>
    %dma_start3A_117 = tpu.memref_squeeze %dma_start3A_116 : memref<1x80x128xf32, #tpu.memory_space<hbm>> -> memref<80x128xf32, #tpu.memory_space<hbm>>
    %dma_start3A_118 = arith.constant 0 : i32
    %dma_start3A_119 = arith.constant 0 : i32
    %dma_start3A_120 = tpu.memref_slice %arg7[%dma_start3A_105, %dma_start3A_118, %dma_start3A_119] : memref<2x80x128xf32, #tpu.memory_space<vmem>> -> memref<1x80x128xf32, #tpu.memory_space<vmem>>
    %dma_start3A_121 = tpu.memref_squeeze %dma_start3A_120 : memref<1x80x128xf32, #tpu.memory_space<vmem>> -> memref<80x128xf32, #tpu.memory_space<vmem>>
    tpu.enqueue_dma source(%dma_start3A_121 : memref<80x128xf32, #tpu.memory_space<vmem>>) target(%dma_start3A_117 : memref<80x128xf32, #tpu.memory_space<hbm>>) target_semaphore(%arg14 : memref<!tpu.dma_semaphore, #tpu.memory_space<semaphore_mem>>)
    %mul3A_122 = arith.constant 125 : i32
    %mul3A_123 = arith.muli %add3A, %mul3A_122 : i32
    %add3A_124 = arith.constant 124 : i32
    %add3A_125 = arith.addi %mul3A_123, %add3A_124 : i32
    %dma_wait3A_126 = arith.constant 0 : i32
    %dma_wait3A_127 = arith.constant 0 : i32
    %dma_wait3A_128 = arith.constant 0 : i32
    %dma_wait3A_129 = tpu.memref_slice %arg7[%dma_wait3A_126, %dma_wait3A_127, %dma_wait3A_128] : memref<2x80x128xf32, #tpu.memory_space<vmem>> -> memref<1x80x128xf32, #tpu.memory_space<vmem>>
    %dma_wait3A_130 = tpu.memref_squeeze %dma_wait3A_129 : memref<1x80x128xf32, #tpu.memory_space<vmem>> -> memref<80x128xf32, #tpu.memory_space<vmem>>
    %dma_wait3A_131 = arith.constant 0 : i32
    %dma_wait3A_132 = arith.constant 0 : i32
    %dma_wait3A_133 = tpu.memref_slice %arg5[%add3A_125, %dma_wait3A_131, %dma_wait3A_132] : memref<4000x80x128xf32, #tpu.memory_space<hbm>> -> memref<1x80x128xf32, #tpu.memory_space<hbm>>
    %dma_wait3A_134 = tpu.memref_squeeze %dma_wait3A_133 : memref<1x80x128xf32, #tpu.memory_space<hbm>> -> memref<80x128xf32, #tpu.memory_space<hbm>>
    %dma_wait3A_135 = arith.constant 0 : i32
    %dma_wait3A_136 = arith.constant 0 : i32
    %dma_wait3A_137 = tpu.memref_slice %arg5[%add3A_125, %dma_wait3A_135, %dma_wait3A_136] : memref<4000x80x128xf32, #tpu.memory_space<hbm>> -> memref<1x80x128xf32, #tpu.memory_space<hbm>>
    %dma_wait3A_138 = tpu.memref_squeeze %dma_wait3A_137 : memref<1x80x128xf32, #tpu.memory_space<hbm>> -> memref<80x128xf32, #tpu.memory_space<hbm>>
    %dma_wait3A_139 = arith.constant 0 : i32
    %dma_wait3A_140 = arith.constant 0 : i32
    %dma_wait3A_141 = tpu.memref_slice %arg7[%dma_wait3A_126, %dma_wait3A_139, %dma_wait3A_140] : memref<2x80x128xf32, #tpu.memory_space<vmem>> -> memref<1x80x128xf32, #tpu.memory_space<vmem>>
    %dma_wait3A_142 = tpu.memref_squeeze %dma_wait3A_141 : memref<1x80x128xf32, #tpu.memory_space<vmem>> -> memref<80x128xf32, #tpu.memory_space<vmem>>
    tpu.wait_dma2 semaphore(%arg14 : memref<!tpu.dma_semaphore, #tpu.memory_space<semaphore_mem>>) src(%dma_wait3A_142 : memref<80x128xf32, #tpu.memory_space<vmem>>) dst(%dma_wait3A_138 : memref<80x128xf32, #tpu.memory_space<hbm>>)
    return
  }
}

module attributes {stable_mosaic.version = 14 : i64} {
  func.func @_mlp_body(%arg0: memref<2x1024x128xf32, #tpu.memory_space<vmem>>, %arg1: memref<2x1024x128xf32, #tpu.memory_space<vmem>>, %arg2: memref<128x128xf32, #tpu.memory_space<vmem>>, %arg3: memref<1x128xf32, #tpu.memory_space<vmem>>, %arg4: memref<128x128xf32, #tpu.memory_space<vmem>>, %arg5: memref<1x128xf32, #tpu.memory_space<vmem>>, %arg6: memref<1024x128xf32, #tpu.memory_space<vmem>>) attributes {dimension_semantics = [], scalar_prefetch = 0 : i64, scratch_operands = 0 : i64, tpu.core_type = #tpu.core_type<tc>} {
    %get3A = arith.constant 0 : index
    %get3A_0 = arith.constant 0 : index
    %get3A_1 = arith.constant 0 : index
    %get3A_2 = vector.load %arg0[%get3A, %get3A_0, %get3A_1] : memref<2x1024x128xf32, #tpu.memory_space<vmem>>, vector<1x1024x128xf32>
    %get3A_3 = vector.shape_cast %get3A_2 : vector<1x1024x128xf32> to vector<1024x128xf32>
    %get3A_4 = arith.constant 1 : index
    %get3A_5 = arith.constant 0 : index
    %get3A_6 = arith.constant 0 : index
    %get3A_7 = vector.load %arg0[%get3A_4, %get3A_5, %get3A_6] : memref<2x1024x128xf32, #tpu.memory_space<vmem>>, vector<1x1024x128xf32>
    %get3A_8 = vector.shape_cast %get3A_7 : vector<1x1024x128xf32> to vector<1024x128xf32>
    %add3A = arith.addf %get3A_3, %get3A_8 : vector<1024x128xf32>
    %get3A_9 = arith.constant 0 : index
    %get3A_10 = arith.constant 0 : index
    %get3A_11 = arith.constant 0 : index
    %get3A_12 = vector.load %arg1[%get3A_9, %get3A_10, %get3A_11] : memref<2x1024x128xf32, #tpu.memory_space<vmem>>, vector<1x1024x128xf32>
    %get3A_13 = vector.shape_cast %get3A_12 : vector<1x1024x128xf32> to vector<1024x128xf32>
    %get3A_14 = arith.constant 1 : index
    %get3A_15 = arith.constant 0 : index
    %get3A_16 = arith.constant 0 : index
    %get3A_17 = vector.load %arg1[%get3A_14, %get3A_15, %get3A_16] : memref<2x1024x128xf32, #tpu.memory_space<vmem>>, vector<1x1024x128xf32>
    %get3A_18 = vector.shape_cast %get3A_17 : vector<1x1024x128xf32> to vector<1024x128xf32>
    %add3A_19 = arith.addf %get3A_13, %get3A_18 : vector<1024x128xf32>
    %reduce_sum3A = arith.constant dense<0.000000e+00> : vector<1024xf32>
    %reduce_sum3A_20 = vector.multi_reduction <add>, %add3A_19, %reduce_sum3A [1] : vector<1024x128xf32> to vector<1024xf32>
    %mul3A = arith.constant 7.812500e-03 : f32
    %mul3A_21 = vector.broadcast %mul3A : f32 to vector<1024xf32>
    %mul3A_22 = arith.mulf %reduce_sum3A_20, %mul3A_21 : vector<1024xf32>
    %jit3A = arith.constant 1.000000e+00 : f32
    %max3A = vector.broadcast %jit3A : f32 to vector<1024xf32>
    %max3A_23 = arith.maximumf %max3A, %mul3A_22 : vector<1024xf32>
    %broadcast_in_dim3A = vector.shape_cast %max3A_23 : vector<1024xf32> to vector<1024x1xf32>
    %div3A = vector.broadcast %broadcast_in_dim3A : vector<1024x1xf32> to vector<1024x128xf32>
    %div3A_24 = arith.divf %add3A, %div3A : vector<1024x128xf32>
    %get3A_25 = arith.constant 0 : index
    %get3A_26 = arith.constant 0 : index
    %get3A_27 = vector.load %arg2[%get3A_25, %get3A_26] : memref<128x128xf32, #tpu.memory_space<vmem>>, vector<128x128xf32>
    %dot_general3A = arith.constant dense<0.000000e+00> : vector<1024x128xf32>
    %dot_general3A_28 = tpu.matmul %div3A_24, %get3A_27, %dot_general3A {dimension_numbers = #tpu.dot_dimension_numbers<[1], [0], [0], [1], [0, 0, 1, 1], [], []>, transpose_lhs_hint = false} : vector<1024x128xf32>, vector<128x128xf32>, vector<1024x128xf32> -> vector<1024x128xf32>
    %get3A_29 = arith.constant 0 : index
    %get3A_30 = arith.constant 0 : index
    %get3A_31 = vector.load %arg3[%get3A_29, %get3A_30] : memref<1x128xf32, #tpu.memory_space<vmem>>, vector<1x128xf32>
    %add3A_32 = vector.broadcast %get3A_31 : vector<1x128xf32> to vector<1024x128xf32>
    %add3A_33 = arith.addf %dot_general3A_28, %add3A_32 : vector<1024x128xf32>
    %max3A_34 = arith.constant 0.000000e+00 : f32
    %max3A_35 = vector.broadcast %max3A_34 : f32 to vector<1024x128xf32>
    %max3A_36 = arith.maximumf %add3A_33, %max3A_35 : vector<1024x128xf32>
    %get3A_37 = arith.constant 0 : index
    %get3A_38 = arith.constant 0 : index
    %get3A_39 = vector.load %arg4[%get3A_37, %get3A_38] : memref<128x128xf32, #tpu.memory_space<vmem>>, vector<128x128xf32>
    %dot_general3A_40 = arith.constant dense<0.000000e+00> : vector<1024x128xf32>
    %dot_general3A_41 = tpu.matmul %max3A_36, %get3A_39, %dot_general3A_40 {dimension_numbers = #tpu.dot_dimension_numbers<[1], [0], [0], [1], [0, 0, 1, 1], [], []>, transpose_lhs_hint = false} : vector<1024x128xf32>, vector<128x128xf32>, vector<1024x128xf32> -> vector<1024x128xf32>
    %get3A_42 = arith.constant 0 : index
    %get3A_43 = arith.constant 0 : index
    %get3A_44 = vector.load %arg5[%get3A_42, %get3A_43] : memref<1x128xf32, #tpu.memory_space<vmem>>, vector<1x128xf32>
    %add3A_45 = vector.broadcast %get3A_44 : vector<1x128xf32> to vector<1024x128xf32>
    %add3A_46 = arith.addf %dot_general3A_41, %add3A_45 : vector<1024x128xf32>
    %neg3A = arith.constant 0.000000e+00 : f32
    %neg3A_47 = vector.broadcast %neg3A : f32 to vector<1024x128xf32>
    %neg3A_48 = arith.subf %neg3A_47, %add3A_46 : vector<1024x128xf32>
    %exp3A = math.exp %neg3A_48 : vector<1024x128xf32>
    %add3A_49 = arith.constant 1.000000e+00 : f32
    %add3A_50 = vector.broadcast %add3A_49 : f32 to vector<1024x128xf32>
    %add3A_51 = arith.addf %add3A_50, %exp3A : vector<1024x128xf32>
    %div3A_52 = arith.constant 1.000000e+00 : f32
    %div3A_53 = vector.broadcast %div3A_52 : f32 to vector<1024x128xf32>
    %div3A_54 = arith.divf %div3A_53, %add3A_51 : vector<1024x128xf32>
    %swap3A = arith.constant 0 : index
    %swap3A_55 = arith.constant 0 : index
    %swap3A_56 = vector.load %arg6[%swap3A, %swap3A_55] : memref<1024x128xf32, #tpu.memory_space<vmem>>, vector<1024x128xf32>
    tpu.vector_store %arg6[%swap3A, %swap3A_55], %div3A_54 {strides = array<i32>} : memref<1024x128xf32, #tpu.memory_space<vmem>>, vector<1024x128xf32>,
    return
  }
}

</mosaic_0001>

<sc_bundles>
// kernel: kernel.5.cloned.1.call-start
scs
__scs_entry_jumppad:
0x0: {  	(pc) =	sbr.rel $0x88, $3  }
0x1: {  	(tag) =	ssettag $0x0;
	lr =	simm.s32 $0x1  }
0x2: {  	[smem:$0x3F9B] =	sst lr;
	_ =	strace $0xD0000000  }
0x3: {  	_ = 	snop  }
0x4: {  	_ = 	snop  }
0x5: {  	_ = 	snop  }
0x6: {  	_ = 	snop  }
0x7: {  	_ = 	snop  }
__scs_overlays_trampoline_lowered:
0x8: {  	[smem:$0x3FAA] =	sst s0  }
0x9: {  	[smem:$0x3FAB] =	sst s1  }
0xa: {  	[smem:$0x3FAC] =	sst s2  }
0xb: {  	[smem:$0x3FAD] =	sst s3  }
0xc: {  	[smem:$0x3FAE] =	sst s4  }
0xd: {  	[smem:$0x3FAF] =	sst s5  }
0xe: {  	[smem:$0x3FB0] =	sst s6  }
0xf: {  	[smem:$0x3FB1] =	sst s7  }
0x10: {  	[smem:$0x3FB2] =	sst s8  }
0x11: {  	[smem:$0x3FB3] =	sst s9;
	s0 =	simm.s32 @!p0 $0x0  }
0x12: {  	s1 =	sld [smem:$0x3F99];
	s0 =	simm.s32 @p0 $0x1  }
0x13: {  	[smem:$0x3FB4] =	sst s0;
	s0 =	simm.s32 @!p1 $0x0  }
0x14: {  	s2 =	sld [smem:$0x3F98];
	s0 =	simm.s32 @p1 $0x1  }
0x15: {  	[smem:$0x3FB5] =	sst s0;
	s0 =	simm.s32 @!p2 $0x0  }
0x16: {  	s3 =	sld [smem:$0x3FDB];
	s0 =	simm.s32 @p2 $0x1  }
0x17: {  	s4 =	simm.s32 $0x1BF5;
	[smem:$0x3FB7] =	sst s0  }
0x18: {  	s0 =	sld [smem:$0x3F9A];
	_ =	swait.ge [sflag:s4], $0x0  }
0x19: {  	s7 =	sld [smem:$0x3F9B]  }
0x1a: {  	s8 =	sadd.s32 $0xFFFFE003, lr  }
0x1b: {  	s9 =	sadd.s32 $0xFFFFFEF7, lr;
	s5 =	simm.s32 $0xFFFFFFFF;
	p2 =	slt.u32 s8, $0xFFFFF086  }
0x1c: {  	p1 =	slt.u32 s9, $0xF7A;
	s5 =	simm.s32 @!p2 $0x0  }
0x1d: {  	s5 =	simm.s32 @p1 $0x1;
	p0 =	seq.s32 s7, s2  }
0x1e: {  	s7 =	smul.u32 @!p0 $0xF7A, s2;
	p2 =	seq.s32 @!p0 s5, $0x0  }
0x1f: {  	s9 =	smul.u32 $0xF7A, s1;
	s8 =	simm.s32 @!p0 $0x1BF5;
	p2 =	por !p2, p0  }
0x20: {  	[sflag:s8] =	ssyncset.s32 @!p0 $0xFFFFF086;
	s6 =	sadd.s32 @!p0 s3, s7;
	s7 =	simm.s32 @!p0 $0x108  }
0x21: {  	s3 =	sadd.s32 s3, s9;
	s6 =	sadd.s32 @!p0 $0x88, s6;
	s7 =	simm.s32 @p2 $0x1082  }
0x22: {  	[simem:s7], [sflag:s8] =	dma.local @!p0 [hbm:s6], $0xF7A  }
0x23: {  	s9 =	sor.u32 $0xD0000000, s2;
	s6 =	simm.s32 $0x108;
	_ =	swait.ge @!p0 [sflag:s8], $0x0  }
0x24: {  	s3 =	sadd.s32 $0x88, s3;
	s6 =	simm.s32 @!p1 $0x1082;
	[sflag:s4] =	ssyncset.s32 $0xFFFFF086  }
0x25: {  	[simem:s6], [sflag:s4] =	dma.local [hbm:s3], $0xF7A  }
0x26: {  	[smem:$0x3F9B] =	sst s1;
	(tag) =	ssettag s2;
	_ =	strace s9  }
0x27: {  	s1 =	sld [smem:$0x3FAB]  }
0x28: {  	s2 =	sld [smem:$0x3FAC]  }
0x29: {  	s4 =	sld [smem:$0x3FAE]  }
0x2a: {  	p0 =	seq.s32 s5, $0x0;
	s5 =	sld [smem:$0x3FAF]  }
0x2b: {  	s6 =	sld [smem:$0x3FB0]  }
0x2c: {  	s7 =	sld [smem:$0x3FB1]  }
0x2d: {  	s3 =	simm.s32 $0x108;
	s8 =	sld [smem:$0x3FB2]  }
0x2e: {  	s3 =	simm.s32 @!p0 $0x1082;
	s9 =	sld [smem:$0x3FB3]  }
0x2f: {  	lr =	sadd.s32 s0, s3;
	s0 =	sld [smem:$0x3FAA]  }
0x30: {  	s3 =	sld [smem:$0x3FAD]  }
0x31: {  	[smem:$0x3FB6] =	sst s10  }
0x32: {  	s10 =	sld [smem:$0x3FB4];
	_ =	sdelay $0x3  }
0x33: {  	p0 =	seq.s32 s10, $0x1;
	s10 =	sld [smem:$0x3FB6];
	_ =	sdelay $0x3  }
0x34: {  	[smem:$0x3FB6] =	sst s10  }
0x35: {  	s10 =	sld [smem:$0x3FB5];
	_ =	sdelay $0x3  }
0x36: {  	p1 =	seq.s32 s10, $0x1;
	s10 =	sld [smem:$0x3FB6];
	_ =	sdelay $0x3  }
0x37: {  	[smem:$0x3FB6] =	sst s10  }
0x38: {  	s10 =	sld [smem:$0x3FB7]  }
0x39: {  	_ = 	snop;
	(pc) =	sbr.ind lr, $3  }
0x3a: {  	_ = 	snop  }
0x3b: {  	_ = 	snop  }
0x3c: {  	p2 =	seq.s32 s10, $0x1;
	s10 =	sld [smem:$0x3FB6]  }
0x3d: {  	_ =	shalt  }
0x3e: {  	_ =	shalt  }
0x3f: {  	_ =	shalt  }
0x40: {  	_ =	shalt  }
0x41: {  	_ =	shalt  }
0x42: {  	_ =	shalt  }
0x43: {  	_ =	shalt  }
0x44: {  	_ =	shalt  }
0x45: {  	_ =	shalt  }
0x46: {  	_ =	shalt  }
0x47: {  	_ =	shalt  }
0x48: {  	_ =	shalt  }
0x49: {  	_ =	shalt  }
0x4a: {  	_ =	shalt  }
0x4b: {  	_ =	shalt  }
0x4c: {  	_ =	shalt  }
0x4d: {  	_ =	shalt  }
0x4e: {  	_ =	shalt  }
0x4f: {  	_ =	shalt  }
0x50: {  	_ =	shalt  }
0x51: {  	_ =	shalt  }
0x52: {  	_ =	shalt  }
0x53: {  	_ =	shalt  }
0x54: {  	_ =	shalt  }
0x55: {  	_ =	shalt  }
0x56: {  	_ =	shalt  }
0x57: {  	_ =	shalt  }
0x58: {  	_ =	shalt  }
0x59: {  	_ =	shalt  }
0x5a: {  	_ =	shalt  }
0x5b: {  	_ =	shalt  }
0x5c: {  	_ =	shalt  }
0x5d: {  	_ =	shalt  }
0x5e: {  	_ =	shalt  }
0x5f: {  	_ =	shalt  }
0x60: {  	_ =	shalt  }
0x61: {  	_ =	shalt  }
0x62: {  	_ =	shalt  }
0x63: {  	_ =	shalt  }
0x64: {  	_ =	shalt  }
0x65: {  	_ =	shalt  }
0x66: {  	_ =	shalt  }
0x67: {  	_ =	shalt  }
0x68: {  	_ =	shalt  }
0x69: {  	_ =	shalt  }
0x6a: {  	_ =	shalt  }
0x6b: {  	_ =	shalt  }
0x6c: {  	_ =	shalt  }
0x6d: {  	_ =	shalt  }
0x6e: {  	_ =	shalt  }
0x6f: {  	_ =	shalt  }
0x70: {  	_ =	shalt  }
0x71: {  	_ =	shalt  }
0x72: {  	_ =	shalt  }
0x73: {  	_ =	shalt  }
0x74: {  	_ =	shalt  }
0x75: {  	_ =	shalt  }
0x76: {  	_ =	shalt  }
0x77: {  	_ =	shalt  }
0x78: {  	_ =	shalt  }
0x79: {  	_ =	shalt  }
0x7a: {  	_ =	shalt  }
0x7b: {  	_ =	shalt  }
0x7c: {  	_ =	shalt  }
0x7d: {  	_ =	shalt  }
0x7e: {  	_ =	shalt  }
0x7f: {  	_ =	shalt  }
0x80: {  	_ =	shalt  }
0x81: {  	_ =	shalt  }
0x82: {  	_ =	shalt  }
0x83: {  	_ =	shalt  }
0x84: {  	_ =	shalt  }
0x85: {  	_ =	shalt  }
0x86: {  	_ =	shalt  }
0x87: {  	_ =	shalt  }
.Lfunc_end0:
.L_simem_size_0:
called_computation_lowered:
.L_overlay_start_0:
0x88: {  	s2 =	sld [smem:$0x3FD9]  }
0x89: {  	s3 =	sld [smem:$0x3FFE];
	_ =	sdelay $0x1  }
0x8a: {  	s1 =	srdreg.scid  }
0x8b: {  	s0 =	sand.u32 $0x1, s1  }
0x8c: {  	s17 =	sshll.u32 s0, $0xA;
	s2 =	sadd.s32 s3, s2  }
0x8d: {  	s2 =	sadd.s32 s2, s17  }
0x8e: {  	[smem:$0x3FC2] =	sst s2  }
0x8f: {  	_ = 	snop  }
0x90: {  	s2 =	sld [smem:$0x3FC9]  }
0x91: {  	s18 =	sld [smem:$0x3FD0];
	(tm) =	ssettm $0x1  }
0x92: {  	s4 =	sld [smem:$0x3FFB];
	_ =	sdelay $0x3  }
0x93: {  	_ =	strace s4  }
0x94: {  	s4 =	sld [smem:$0x3FFC];
	_ =	sdelay $0x3  }
0x95: {  	_ =	strace s4  }
0x96: {  	s4 =	sld [smem:$0x3FFD];
	_ =	sdelay $0x3  }
0x97: {  	_ =	strace s4  }
0x98: {  	_ =	strace $0x8FFFFFFF  }
0x99: {  	s19 =	sld [smem:$0x3FDB];
	_ =	sdelay $0x1  }
0x9a: {  	s5 =	simm.s32 $_scs_section_size  }
0x9b: {  	s6 =	simm.s32 $_size__tile_overlayer_lowered;
	s7 =	simm.s32 $_tile_overlayer_lowered  }
0x9c: {  	s22 =	simm.s32 $0x1BFF;
	s21 =	sshll.u32 s7, $0x1;
	s4 =	sadd.s32 s5, s19  }
0x9d: {  	s8 =	simm.s32 $0x0;
	s20 =	sshll.u32 s6, $0x1;
	s6 =	sadd.s32 s21, s4  }
0x9e: {  	[timem:s8], [sflag:s22] =	dma.local [hbm:s6], s20  }
0x9f: {  	_ =	swait.ge [sflag:s22], s20  }
0xa0: {  	s5 =	ssub.s32 $0x0, s20;
	[sflag:s22] =	ssyncset.done $0x0  }
0xa1: {  	[sflag:s22] =	ssyncadd.s32 s5;
	_ =	sdelay $0x1  }
0xa2: {  	s23 =	simm.s32 $0x1B8B  }
0xa3: {  	_ =	swait.ge [sflag:s23], $0x1  }
0xa4: {  	[sflag:s23] =	ssyncset.done $0x0  }
0xa5: {  	s25 =	simm.s32 $0x1B8E;
	s24 =	sld [smem:$0x3FFE];
	[sflag:s23] =	ssyncadd.s32 $0xFFFFFFFF  }
0xa6: {  	s26 =	simm.s32 $execute0_lowered;
	[smem:$0x3FD2] =	sst s25  }
0xa7: {  	s6 =	sshll.u32 s26, $0x1;
	_ =	strace $0x80000046;
	[dreg:$0x1] =	wrdreg $0xFFFFFFFF  }
0xa8: {  	s28 =	simm.s32 $_size_execute0_lowered;
	s4 =	sadd.s32 s4, s6;
	[dreg:$0x0] =	wrdreg $0x0  }
0xa9: {  	s6 =	sshll.u32 s28, $0x1;
	[dreg:$0x2] =	wrdreg s4  }
0xaa: {  	[dreg:$0x3] =	wrdreg s6  }
0xab: {  	[dreg:$0x4] =	wrdreg $0xC0  }
0xac: {  	_ =	task [dreg:s8], $0x5FFFF  }
0xad: {  	[dreg:$0x1] =	wrdreg $0xFFFFFFFF  }
0xae: {  	[dreg:$0x0] =	wrdreg $0x60  }
0xaf: {  	[dreg:$0x2] =	wrdreg s2  }
0xb0: {  	[dreg:$0x3] =	wrdreg s24  }
0xb1: {  	[dreg:$0x4] =	wrdreg s18  }
0xb2: {  	[dreg:$0x5] =	wrdreg $0xB8000  }
0xb3: {  	[dreg:$0x6] =	wrdreg $0xD8000  }
0xb4: {  	[dreg:$0x7] =	wrdreg $0x9  }
0xb5: {  	_ =	task.clear_ibuf [dreg:s8], $0x8FFFF;
	_ =	strace $0x90000046  }
0xb6: {  	s29 =	simm.s32 $0x9;
	_ =	strace $0x80000048  }
0xb7: {  	_ =	swait.ge [sflag:s29], $0x1  }
0xb8: {  	[sflag:s29] =	ssyncadd.s32 $0xFFFFFFFF  }
0xb9: {  	_ =	strace $0x90000048  }
0xba: {  	_ =	sfence  }
0xbb: {  	s30 =	sld [smem:$0x0];
	_ =	sdelay $0x2  }
0xbc: {  	s31 =	sshll.u32 s1, $0xD;
	s1 =	sshrl.u32 s1, $0x2  }
0xbd: {  	s3 =	sand.u32 $0x4000, s31;
	s1 =	sadd.s32 s1, s30  }
0xbe: {  	s0 =	sor.u32 s3, s0;
	s1 =	sshll.u32 s1, $0x11  }
0xbf: {  	s0 =	sor.u32 s1, s0  }
0xc0: {  	s0 =	sadd.s32 $0x8F2B, s0  }
0xc1: {  	[sflag:s0] =	ssyncadd.remote.s32 $0x1  }
0xc2: {  	_ =	sfence.sel $0xFFFF  }
0xc3: {  	[dreg:$0x0] =	wrdreg $0xFFFFFFFF;
	(pc) =	sbr.abs _section_cstart, $3  }
0xc4: {  	[dreg:$0x1] =	wrdreg $0xFFFFFFFF  }
0xc5: {  	_ =	task.clear_ibuf [dreg:s8], $0x2FFFF;
	_ =	strace $0x9FFFFFFF  }
0xc6: {  	(tm) =	ssettm $0x7FFFFFFF  }
0xc7: {  	_ =	shalt  }
tec
execute0_lowered:
.L_overlay_start_1:
0x0: {  	(tag) =	ssettag $0x1  }
0x1: {  	s9 =	rddreg [dreg:$0x0]  }
0x2: {  	s5 =	rddreg [dreg:$0x1]  }
0x3: {  	s10 =	rddreg [dreg:$0x2]  }
0x4: {  	s2 =	rddreg [dreg:$0x3]  }
0x5: {  	s3 =	rddreg [dreg:$0x4]  }
0x6: {  	s0 =	rddreg [dreg:$0x5]  }
0x7: {  	s6 =	srdreg.scid;
	s1 =	stileid.u32;
	s4 =	simm.s32 $0x0  }
0x8: {  	s17 =	simm.s32 $0x2;
	s18 =	simm.s32 $0x3E00;
	s19 =	simm.s32 $0x3  }
0x9: {  	s7 =	sand.u32 $0x1, s6;
	s28 =	sshll.u32 s1, $0x1;
	[smem:$0x7FF] =	sst s4  }
0xa: {  	s30 =	sshll.u32 s1, $0xD;
	s15 =	smul.u32 $0x4E200, s1;
	s21 =	sshll.u32 s1, $0xA  }
0xb: {  	s6 =	sor.u32 s7, s28;
	_ =	strace $0x80000047;
	s11 =	sshll.u32 s7, $0xE  }
0xc: {  	s12 =	ssub.s32 $0x2, s7;
	s16 =	smul.u32 $0x27100, s7;
	s8 =	sshll.u32 s6, $0xB  }
0xd: {  	s13 =	sadd.s32 s11, s5;
	s29 =	sshrl.u32 s12, $0x1;
	s14 =	smul.u32 $0x27100, s6  }
0xe: {  	s6 =	sadd.s32 s30, s3;
	s20 =	sadd.s32 s10, s11;
	s11 =	simm.s32 $0x4000  }
0xf: {  	s8 =	sadd.s32 s8, s5;
	s12 =	ssub.s32 s12, s29;
	s5 =	sadd.s32 s30, s2  }
0x10: {  	s22 =	sadd.s32 $0x11A00, s13;
	s13 =	simm.s32 $0x6800;
	s20 =	sadd.s32 s21, s20  }
0x11: {  	s7 =	sadd.s32 $0x1A00, s8;
	s8 =	sadd.s32 s9, s14;
	s9 =	sadd.s32 s15, s9  }
0x12: {  	s14 =	simm.s32 $0x1;
	s15 =	simm.s32 $0x50;
	s21 =	sadd.s32 s21, s22  }
0x13: {  	s22 =	simm.s32 $0x0;
	s31 =	sadd.s32 s16, s9;
	s9 =	smax.u32 s12, $0x1  }
0x14: {  	v0 =	vimm.f32 $0.0e+00;
	v1 =	vimm.f32 $1.000000000e+00;
	s12 =	simm.s32 $0x4;
	s16 =	simm.s32 $0x9000;
	s10 =	sadd.s32 $0xA00, s31  }
.LBB2_1:
0x15: {  	s23 =	simm.s32 $0x0;
	s24 =	simm.s32 $0x200  }
.LBB2_2:
0x16: {  	p0 =	sne.s32 s24, $0x7E00;
	[tilespmem:s23+$0x4070] =	vst v0  }
0x17: {  	[tilespmem:s23+$0x4000] =	vst v0  }
0x18: {  	[tilespmem:s23+$0x4010] =	vst v0  }
.Ltmp0:
0x19: {  	[tilespmem:s23+$0x4020] =	vst v0;
	(pc) =	sbr.rel @p0 .LBB2_2-.Ltmp0, $4  }
0x1a: {  	[tilespmem:s23+$0x4030] =	vst v0  }
0x1b: {  	[tilespmem:s23+$0x4040] =	vst v0  }
0x1c: {  	[tilespmem:s23+$0x4050] =	vst v0  }
0x1d: {  	[tilespmem:s23+$0x4060] =	vst v0;
	s23 =	sshra.s32 s24, $0x2;
	s24 =	sadd.s32 $0x200, s24  }
0x1e: {  	[tilespmem:s23+$0x4070] =	vst v0  }
0x1f: {  	[tilespmem:s23+$0x4000] =	vst v0  }
0x20: {  	[tilespmem:s23+$0x4010] =	vst v0  }
0x21: {  	[tilespmem:s23+$0x4020] =	vst v0  }
0x22: {  	[tilespmem:s23+$0x4030] =	vst v0  }
0x23: {  	[tilespmem:s23+$0x4040] =	vst v0  }
0x24: {  	[tilespmem:s23+$0x4050] =	vst v0  }
0x25: {  	[tilespmem:s23+$0x4060] =	vst v0  }
0x26: {  	[spmem:s5] =	stream.linear.scatter [tilespmem:s11], [sflag:$0x4], $0x2000, $0x38;
	[tilespmem:$0xF800] =	vst v63  }
0x27: {  	_ =	swait.ge [sflag:s12], $0x2000  }
0x28: {  	[sflag:s12] =	ssyncset.done $0x0  }
0x29: {  	[sflag:s12] =	ssyncadd.s32 $0xFFFFE000  }
0x2a: {  	[spmem:s6] =	stream.linear.scatter [tilespmem:s11], [sflag:$0x4], $0x2000, $0x38;
	[tilespmem:$0xF800] =	vst v63  }
0x2b: {  	_ =	swait.ge [sflag:s12], $0x2000  }
0x2c: {  	[sflag:s12] =	ssyncset.done $0x0  }
0x2d: {  	s23 =	simm.s32 $0x0;
	s24 =	simm.s32 $0x200;
	[sflag:s12] =	ssyncadd.s32 $0xFFFFE000  }
.LBB2_4:
0x2e: {  	p0 =	sne.s32 s24, $0x9E00;
	[tilespmem:s23+$0x9070] =	vst v1  }
0x2f: {  	[tilespmem:s23+$0x9000] =	vst v1  }
0x30: {  	[tilespmem:s23+$0x9010] =	vst v1  }
.Ltmp1:
0x31: {  	[tilespmem:s23+$0x9020] =	vst v1;
	(pc) =	sbr.rel @p0 .LBB2_4-.Ltmp1, $4  }
0x32: {  	[tilespmem:s23+$0x9030] =	vst v1  }
0x33: {  	[tilespmem:s23+$0x9040] =	vst v1  }
0x34: {  	[tilespmem:s23+$0x9050] =	vst v1  }
0x35: {  	[tilespmem:s23+$0x9060] =	vst v1;
	s23 =	sshra.s32 s24, $0x2;
	s24 =	sadd.s32 $0x200, s24  }
0x36: {  	[tilespmem:s23+$0x9070] =	vst v1  }
0x37: {  	[tilespmem:s23+$0x9000] =	vst v1  }
0x38: {  	[tilespmem:s23+$0x9010] =	vst v1  }
0x39: {  	[tilespmem:s23+$0x9020] =	vst v1  }
0x3a: {  	[tilespmem:s23+$0x9030] =	vst v1  }
0x3b: {  	[tilespmem:s23+$0x9040] =	vst v1  }
0x3c: {  	[tilespmem:s23+$0x9050] =	vst v1  }
0x3d: {  	[tilespmem:s23+$0x9060] =	vst v1;
	s29 =	simm.s32 $0x0  }
0x3e: {  	[tilespmem:s29], [sflag:$0x4] =	stream.linear.gather [hbm4b:s7+s29], $0x3E80, $0x38;
	[tilespmem:$0xF800] =	vst v63  }
0x3f: {  	_ =	swait.ge [sflag:s12], $0x3E80  }
0x40: {  	[sflag:s12] =	ssyncset.done $0x0  }
0x41: {  	[sflag:s12] =	ssyncadd.s32 $0xFFFFC180  }
0x42: {  	[bflag:$0x0] =	sbarrier.arrive $0xFFFF  }
0x43: {  	[tilespmem:s11], [sflag:$0x1] =	stream.linear.gather [hbm4b:s8+s29], $0x2800, $0x38;
	[tilespmem:$0xF800] =	vst v63  }
0x44: {  	s30 =	sadd.s32 $0xFFFFFB00, s10  }
0x45: {  	[tilespmem:s13], [sflag:$0x2] =	stream.linear.gather [hbm4b:s30+s4], $0x2800, $0x38;
	[tilespmem:$0xF800] =	vst v63  }
0x46: {  	_ =	swait.ge [sflag:s14], $0x2800  }
0x47: {  	[sflag:s14] =	ssyncset.done $0x0  }
0x48: {  	s31 =	simm.s32 $0x0;
	[sflag:s14] =	ssyncadd.s32 $0xFFFFD800  }
0x49: {  	[spmem:s2] =	stream.indirect.scatter.add.f32 [tilespmem:s11], [sflag:$0x4], $0x80, s31, s15, $0xb8;
	[tilespmem:$0xF800] =	vst v63  }
0x4a: {  	_ =	swait.ge [sflag:s12], $0x2800  }
0x4b: {  	[sflag:s12] =	ssyncset.done $0x0  }
0x4c: {  	[sflag:s12] =	ssyncadd.s32 $0xFFFFD800  }
0x4d: {  	[spmem:s3] =	stream.indirect.scatter.add.f32 [tilespmem:s16], [sflag:$0x3], $0x80, s31, s15, $0xb8;
	[tilespmem:$0xF800] =	vst v63  }
0x4e: {  	_ = 	snop  }
0x4f: {  	[tilespmem:s11], [sflag:$0x1] =	stream.linear.gather [hbm4b:s10+s4], $0x2800, $0x38;
	[tilespmem:$0xF800] =	vst v63  }
0x50: {  	_ =	swait.ge [sflag:s17], $0x2800  }
0x51: {  	[sflag:s17] =	ssyncset.done $0x0  }
0x52: {  	s25 =	simm.s32 $0x80;
	[sflag:s17] =	ssyncadd.s32 $0xFFFFD800  }
0x53: {  	[spmem:s2] =	stream.indirect.scatter.add.f32 [tilespmem:s13], [sflag:$0x4], $0x80, s25, s15, $0xb8;
	[tilespmem:$0xF800] =	vst v63  }
0x54: {  	_ =	swait.ge [sflag:s12], $0x2800  }
0x55: {  	[sflag:s12] =	ssyncset.done $0x0  }
0x56: {  	s23 =	simm.s32 $0x400;
	s24 =	sadd.s32 $0xA00, s10;
	[sflag:s12] =	ssyncadd.s32 $0xFFFFD800  }
.LBB2_6:
0x57: {  	[spmem:s3] =	stream.indirect.scatter.add.f32 [tilespmem:s16], [sflag:$0x3], $0x80, s25, s15, $0xb8;
	[tilespmem:$0xF800] =	vst v63  }
0x58: {  	s25 =	smov.u32 s23  }
0x59: {  	s26 =	sadd.s32 $0xFFFFFB00, s24;
	p0 =	sne.s32 s23, $0xF400;
	s23 =	sadd.s32 $0x400, s23  }
0x5a: {  	[tilespmem:s13], [sflag:$0x2] =	stream.linear.gather [hbm4b:s26+s4], $0x2800, $0x38;
	[tilespmem:$0xF800] =	vst v63  }
0x5b: {  	_ =	swait.ge [sflag:s14], $0x2800  }
0x5c: {  	[sflag:s14] =	ssyncset.done $0x0  }
0x5d: {  	s25 =	sshra.s32 s25, $0x2;
	[sflag:s14] =	ssyncadd.s32 $0xFFFFD800  }
0x5e: {  	[spmem:s2] =	stream.indirect.scatter.add.f32 [tilespmem:s11], [sflag:$0x4], $0x80, s25, s15, $0xb8;
	[tilespmem:$0xF800] =	vst v63  }
0x5f: {  	_ =	swait.ge [sflag:s12], $0x2800  }
0x60: {  	[sflag:s12] =	ssyncset.done $0x0  }
0x61: {  	[sflag:s12] =	ssyncadd.s32 $0xFFFFD800  }
0x62: {  	[spmem:s3] =	stream.indirect.scatter.add.f32 [tilespmem:s16], [sflag:$0x3], $0x80, s25, s15, $0xb8;
	[tilespmem:$0xF800] =	vst v63  }
0x63: {  	_ = 	snop  }
0x64: {  	[tilespmem:s11], [sflag:$0x1] =	stream.linear.gather [hbm4b:s24+s4], $0x2800, $0x38;
	[tilespmem:$0xF800] =	vst v63  }
0x65: {  	_ =	swait.ge [sflag:s17], $0x2800  }
0x66: {  	[sflag:s17] =	ssyncset.done $0x0  }
.Ltmp2:
0x67: {  	s25 =	sadd.s32 $0x80, s25;
	[sflag:s17] =	ssyncadd.s32 $0xFFFFD800;
	(pc) =	sbr.rel @p0 .LBB2_6-.Ltmp2, $4  }
0x68: {  	[spmem:s2] =	stream.indirect.scatter.add.f32 [tilespmem:s13], [sflag:$0x4], $0x80, s25, s15, $0xb8;
	[tilespmem:$0xF800] =	vst v63  }
0x69: {  	_ =	swait.ge [sflag:s12], $0x2800  }
0x6a: {  	[sflag:s12] =	ssyncset.done $0x0  }
0x6b: {  	s24 =	sadd.s32 $0xA00, s24;
	[sflag:s12] =	ssyncadd.s32 $0xFFFFD800  }
0x6c: {  	[spmem:s3] =	stream.indirect.scatter.add.f32 [tilespmem:s16], [sflag:$0x3], $0x80, s25, s15, $0xb8;
	[tilespmem:$0xF800] =	vst v63  }
0x6d: {  	_ =	swait.ge [sflag:s14], $0x2800  }
0x6e: {  	[sflag:s14] =	ssyncset.done $0x0  }
0x6f: {  	[sflag:s14] =	ssyncadd.s32 $0xFFFFD800  }
0x70: {  	[spmem:s2] =	stream.indirect.scatter.add.f32 [tilespmem:s11], [sflag:$0x4], $0x80, s18, s15, $0xb8;
	[tilespmem:$0xF800] =	vst v63  }
0x71: {  	_ =	swait.ge [sflag:s12], $0x2800  }
0x72: {  	[sflag:s12] =	ssyncset.done $0x0  }
0x73: {  	[sflag:s12] =	ssyncadd.s32 $0xFFFFD800  }
0x74: {  	[spmem:s3] =	stream.indirect.scatter.add.f32 [tilespmem:s16], [sflag:$0x3], $0x80, s18, s15, $0xb8;
	[tilespmem:$0xF800] =	vst v63  }
0x75: {  	_ =	swait.ge [sflag:s19], $0x2800  }
0x76: {  	s23 =	simm.s32 $0x7C;
	[sflag:s19] =	ssyncset.done $0x0  }
.LBB2_8:
0x77: {  	p0 =	sne.s32 s23, $0x1;
	s23 =	sadd.s32 $0xFFFFFFFF, s23;
	[sflag:s19] =	ssyncadd.s32 $0xFFFFD800  }
.Ltmp3:
0x78: {  	(pc) =	sbr.rel @p0 .LBB2_8-.Ltmp3, $3  }
0x79: {  	_ =	sdelay $0x1  }
0x7a: {  	_ =	swait.ge [sflag:s19], $0x2800  }
0x7b: {  	[sflag:s19] =	ssyncset.done $0x0  }
0x7c: {  	[sflag:s19] =	ssyncadd.s32 $0xFFFFD800;
	s23 =	sshll.u32 s1, $0x6  }
0x7d: {  	s24 =	sshrl.u32 s5, $0x3;
	[bflag:$0x0] =	sbarrier.arrive $0xFFFF;
	s23 =	sor.u32 $0x1C04, s23  }
0x7e: {  	[hbm:s20], [sflag:s23] =	dma.local [spmem:s24], $0x400  }
0x7f: {  	s22 =	sadd.s32 $0x1, s22;
	_ =	swait.ge [sflag:s12], $0x400  }
0x80: {  	p0 =	sne.s32 s22, s9;
	[sflag:s12] =	ssyncset.done $0x0  }
.Ltmp4:
0x81: {  	s31 =	sshrl.u32 s6, $0x3;
	[sflag:s12] =	ssyncadd.s32 $0xFFFFFC00;
	(pc) =	sbr.rel @p0 .LBB2_1-.Ltmp4, $4  }
0x82: {  	[hbm:s21], [sflag:s23] =	dma.local [spmem:s31], $0x400  }
0x83: {  	_ =	swait.ge [sflag:s12], $0x400  }
0x84: {  	[sflag:s12] =	ssyncset.done $0x0  }
0x85: {  	[sflag:s12] =	ssyncadd.s32 $0xFFFFFC00  }
0x86: {  	_ =	sfence.sel $0x180000  }
0x87: {  	[bflag:$0x0] =	sbarrier.arrive $0xFFFF  }
0x88: {  	p0 =	sne.s32 s1, $0x0;
	_ =	strace $0x90000047  }
0x89: {  	s0 =	sadd.s32 @!p0 $0x100000, s0;
	[bflag:$0x2] =	sbarrier.arrive $0xFFFF  }
0x8a: {  	[sflag:s0] =	ssyncadd.tile.s32 @!p0 $0x1;
	_ =	shalt  }
.Lfunc_end2:
_tile_overlayer_lowered:
.L_overlay_start_2:
0x8b: {  	(tag) =	ssettag $0x2  }
0x8c: {  	s0 =	rddreg [dreg:$0x0];
	s2 =	stileid.u32  }
0x8d: {  	s1 =	rddreg [dreg:$0x1];
	p0 =	sne.s32 s2, $0x0  }
0x8e: {  	s3 =	rddreg [dreg:$0x2];
	[bflag:$0x3] =	sbarrier.arrive $0xFFFF;
	s2 =	simm.s32 @!p0 $0x1C04  }
0x8f: {  	[timem:s3], [sflag:s2] =	dma.local @!p0 [hbm:s0], s1  }
0x90: {  	s0 =	simm.s32 @!p0 $0x4  }
0x91: {  	_ =	swait.ge @!p0 [sflag:s0], s1  }
0x92: {  	s1 =	ssub.s32 @!p0 $0x0, s1;
	[sflag:s0] =	ssyncset.done @!p0 $0x0  }
0x93: {  	[sflag:s0] =	ssyncadd.s32 @!p0 s1  }
0x94: {  	[bflag:$0x3] =	sbarrier.arrive $0xFFFF  }
0x95: {  	_ =	shalt  }

// kernel: kernel.8.cloned.1.call-start
scs
__scs_entry_jumppad:
0x0: {  	(pc) =	sbr.rel $0x88, $3  }
0x1: {  	(tag) =	ssettag $0x0;
	lr =	simm.s32 $0x1  }
0x2: {  	[smem:$0x3F9B] =	sst lr;
	_ =	strace $0xD0000000  }
0x3: {  	_ = 	snop  }
0x4: {  	_ = 	snop  }
0x5: {  	_ = 	snop  }
0x6: {  	_ = 	snop  }
0x7: {  	_ = 	snop  }
__scs_overlays_trampoline_lowered:
0x8: {  	[smem:$0x3FAA] =	sst s0  }
0x9: {  	[smem:$0x3FAB] =	sst s1  }
0xa: {  	[smem:$0x3FAC] =	sst s2  }
0xb: {  	[smem:$0x3FAD] =	sst s3  }
0xc: {  	[smem:$0x3FAE] =	sst s4  }
0xd: {  	[smem:$0x3FAF] =	sst s5  }
0xe: {  	[smem:$0x3FB0] =	sst s6  }
0xf: {  	[smem:$0x3FB1] =	sst s7  }
0x10: {  	[smem:$0x3FB2] =	sst s8  }
0x11: {  	[smem:$0x3FB3] =	sst s9;
	s0 =	simm.s32 @!p0 $0x0  }
0x12: {  	s1 =	sld [smem:$0x3F99];
	s0 =	simm.s32 @p0 $0x1  }
0x13: {  	[smem:$0x3FB4] =	sst s0;
	s0 =	simm.s32 @!p1 $0x0  }
0x14: {  	s2 =	sld [smem:$0x3F98];
	s0 =	simm.s32 @p1 $0x1  }
0x15: {  	[smem:$0x3FB5] =	sst s0;
	s0 =	simm.s32 @!p2 $0x0  }
0x16: {  	s3 =	sld [smem:$0x3FDB];
	s0 =	simm.s32 @p2 $0x1  }
0x17: {  	s4 =	simm.s32 $0x1BF5;
	[smem:$0x3FB7] =	sst s0  }
0x18: {  	s0 =	sld [smem:$0x3F9A];
	_ =	swait.ge [sflag:s4], $0x0  }
0x19: {  	s7 =	sld [smem:$0x3F9B]  }
0x1a: {  	s8 =	sadd.s32 $0xFFFFE003, lr  }
0x1b: {  	s9 =	sadd.s32 $0xFFFFFEF7, lr;
	s5 =	simm.s32 $0xFFFFFFFF;
	p2 =	slt.u32 s8, $0xFFFFF086  }
0x1c: {  	p1 =	slt.u32 s9, $0xF7A;
	s5 =	simm.s32 @!p2 $0x0  }
0x1d: {  	s5 =	simm.s32 @p1 $0x1;
	p0 =	seq.s32 s7, s2  }
0x1e: {  	s7 =	smul.u32 @!p0 $0xF7A, s2;
	p2 =	seq.s32 @!p0 s5, $0x0  }
0x1f: {  	s9 =	smul.u32 $0xF7A, s1;
	s8 =	simm.s32 @!p0 $0x1BF5;
	p2 =	por !p2, p0  }
0x20: {  	[sflag:s8] =	ssyncset.s32 @!p0 $0xFFFFF086;
	s6 =	sadd.s32 @!p0 s3, s7;
	s7 =	simm.s32 @!p0 $0x108  }
0x21: {  	s3 =	sadd.s32 s3, s9;
	s6 =	sadd.s32 @!p0 $0x88, s6;
	s7 =	simm.s32 @p2 $0x1082  }
0x22: {  	[simem:s7], [sflag:s8] =	dma.local @!p0 [hbm:s6], $0xF7A  }
0x23: {  	s9 =	sor.u32 $0xD0000000, s2;
	s6 =	simm.s32 $0x108;
	_ =	swait.ge @!p0 [sflag:s8], $0x0  }
0x24: {  	s3 =	sadd.s32 $0x88, s3;
	s6 =	simm.s32 @!p1 $0x1082;
	[sflag:s4] =	ssyncset.s32 $0xFFFFF086  }
0x25: {  	[simem:s6], [sflag:s4] =	dma.local [hbm:s3], $0xF7A  }
0x26: {  	[smem:$0x3F9B] =	sst s1;
	(tag) =	ssettag s2;
	_ =	strace s9  }
0x27: {  	s1 =	sld [smem:$0x3FAB]  }
0x28: {  	s2 =	sld [smem:$0x3FAC]  }
0x29: {  	s4 =	sld [smem:$0x3FAE]  }
0x2a: {  	p0 =	seq.s32 s5, $0x0;
	s5 =	sld [smem:$0x3FAF]  }
0x2b: {  	s6 =	sld [smem:$0x3FB0]  }
0x2c: {  	s7 =	sld [smem:$0x3FB1]  }
0x2d: {  	s3 =	simm.s32 $0x108;
	s8 =	sld [smem:$0x3FB2]  }
0x2e: {  	s3 =	simm.s32 @!p0 $0x1082;
	s9 =	sld [smem:$0x3FB3]  }
0x2f: {  	lr =	sadd.s32 s0, s3;
	s0 =	sld [smem:$0x3FAA]  }
0x30: {  	s3 =	sld [smem:$0x3FAD]  }
0x31: {  	[smem:$0x3FB6] =	sst s10  }
0x32: {  	s10 =	sld [smem:$0x3FB4];
	_ =	sdelay $0x3  }
0x33: {  	p0 =	seq.s32 s10, $0x1;
	s10 =	sld [smem:$0x3FB6];
	_ =	sdelay $0x3  }
0x34: {  	[smem:$0x3FB6] =	sst s10  }
0x35: {  	s10 =	sld [smem:$0x3FB5];
	_ =	sdelay $0x3  }
0x36: {  	p1 =	seq.s32 s10, $0x1;
	s10 =	sld [smem:$0x3FB6];
	_ =	sdelay $0x3  }
0x37: {  	[smem:$0x3FB6] =	sst s10  }
0x38: {  	s10 =	sld [smem:$0x3FB7]  }
0x39: {  	_ = 	snop;
	(pc) =	sbr.ind lr, $3  }
0x3a: {  	_ = 	snop  }
0x3b: {  	_ = 	snop  }
0x3c: {  	p2 =	seq.s32 s10, $0x1;
	s10 =	sld [smem:$0x3FB6]  }
0x3d: {  	_ =	shalt  }
0x3e: {  	_ =	shalt  }
0x3f: {  	_ =	shalt  }
0x40: {  	_ =	shalt  }
0x41: {  	_ =	shalt  }
0x42: {  	_ =	shalt  }
0x43: {  	_ =	shalt  }
0x44: {  	_ =	shalt  }
0x45: {  	_ =	shalt  }
0x46: {  	_ =	shalt  }
0x47: {  	_ =	shalt  }
0x48: {  	_ =	shalt  }
0x49: {  	_ =	shalt  }
0x4a: {  	_ =	shalt  }
0x4b: {  	_ =	shalt  }
0x4c: {  	_ =	shalt  }
0x4d: {  	_ =	shalt  }
0x4e: {  	_ =	shalt  }
0x4f: {  	_ =	shalt  }
0x50: {  	_ =	shalt  }
0x51: {  	_ =	shalt  }
0x52: {  	_ =	shalt  }
0x53: {  	_ =	shalt  }
0x54: {  	_ =	shalt  }
0x55: {  	_ =	shalt  }
0x56: {  	_ =	shalt  }
0x57: {  	_ =	shalt  }
0x58: {  	_ =	shalt  }
0x59: {  	_ =	shalt  }
0x5a: {  	_ =	shalt  }
0x5b: {  	_ =	shalt  }
0x5c: {  	_ =	shalt  }
0x5d: {  	_ =	shalt  }
0x5e: {  	_ =	shalt  }
0x5f: {  	_ =	shalt  }
0x60: {  	_ =	shalt  }
0x61: {  	_ =	shalt  }
0x62: {  	_ =	shalt  }
0x63: {  	_ =	shalt  }
0x64: {  	_ =	shalt  }
0x65: {  	_ =	shalt  }
0x66: {  	_ =	shalt  }
0x67: {  	_ =	shalt  }
0x68: {  	_ =	shalt  }
0x69: {  	_ =	shalt  }
0x6a: {  	_ =	shalt  }
0x6b: {  	_ =	shalt  }
0x6c: {  	_ =	shalt  }
0x6d: {  	_ =	shalt  }
0x6e: {  	_ =	shalt  }
0x6f: {  	_ =	shalt  }
0x70: {  	_ =	shalt  }
0x71: {  	_ =	shalt  }
0x72: {  	_ =	shalt  }
0x73: {  	_ =	shalt  }
0x74: {  	_ =	shalt  }
0x75: {  	_ =	shalt  }
0x76: {  	_ =	shalt  }
0x77: {  	_ =	shalt  }
0x78: {  	_ =	shalt  }
0x79: {  	_ =	shalt  }
0x7a: {  	_ =	shalt  }
0x7b: {  	_ =	shalt  }
0x7c: {  	_ =	shalt  }
0x7d: {  	_ =	shalt  }
0x7e: {  	_ =	shalt  }
0x7f: {  	_ =	shalt  }
0x80: {  	_ =	shalt  }
0x81: {  	_ =	shalt  }
0x82: {  	_ =	shalt  }
0x83: {  	_ =	shalt  }
0x84: {  	_ =	shalt  }
0x85: {  	_ =	shalt  }
0x86: {  	_ =	shalt  }
0x87: {  	_ =	shalt  }
.Lfunc_end0:
.L_simem_size_0:
called_computation.1_lowered:
.L_overlay_start_0:
0x88: {  	s2 =	sld [smem:$0x3FD9]  }
0x89: {  	s3 =	sld [smem:$0x3FFE];
	_ =	sdelay $0x1  }
0x8a: {  	s1 =	srdreg.scid  }
0x8b: {  	s0 =	sand.u32 $0x1, s1  }
0x8c: {  	s17 =	sshll.u32 s0, $0xA;
	s2 =	sadd.s32 s3, s2  }
0x8d: {  	s2 =	sadd.s32 s2, s17  }
0x8e: {  	[smem:$0x3FC2] =	sst s2  }
0x8f: {  	_ = 	snop  }
0x90: {  	s2 =	sld [smem:$0x3FC9]  }
0x91: {  	s18 =	sld [smem:$0x3FD0];
	(tm) =	ssettm $0x1  }
0x92: {  	s4 =	sld [smem:$0x3FFB];
	_ =	sdelay $0x3  }
0x93: {  	_ =	strace s4  }
0x94: {  	s4 =	sld [smem:$0x3FFC];
	_ =	sdelay $0x3  }
0x95: {  	_ =	strace s4  }
0x96: {  	s4 =	sld [smem:$0x3FFD];
	_ =	sdelay $0x3  }
0x97: {  	_ =	strace s4  }
0x98: {  	_ =	strace $0x8FFFFFFF  }
0x99: {  	s19 =	sld [smem:$0x3FDB];
	_ =	sdelay $0x1  }
0x9a: {  	s5 =	simm.s32 $_scs_section_size  }
0x9b: {  	s6 =	simm.s32 $_size__tile_overlayer_lowered;
	s7 =	simm.s32 $_tile_overlayer_lowered  }
0x9c: {  	s22 =	simm.s32 $0x1BFF;
	s21 =	sshll.u32 s7, $0x1;
	s4 =	sadd.s32 s5, s19  }
0x9d: {  	s8 =	simm.s32 $0x0;
	s20 =	sshll.u32 s6, $0x1;
	s6 =	sadd.s32 s21, s4  }
0x9e: {  	[timem:s8], [sflag:s22] =	dma.local [hbm:s6], s20  }
0x9f: {  	_ =	swait.ge [sflag:s22], s20  }
0xa0: {  	s5 =	ssub.s32 $0x0, s20;
	[sflag:s22] =	ssyncset.done $0x0  }
0xa1: {  	[sflag:s22] =	ssyncadd.s32 s5;
	_ =	sdelay $0x1  }
0xa2: {  	s23 =	simm.s32 $0x1B8B  }
0xa3: {  	_ =	swait.ge [sflag:s23], $0x1  }
0xa4: {  	[sflag:s23] =	ssyncset.done $0x0  }
0xa5: {  	s25 =	simm.s32 $0x1B8E;
	s24 =	sld [smem:$0x3FFE];
	[sflag:s23] =	ssyncadd.s32 $0xFFFFFFFF  }
0xa6: {  	s26 =	simm.s32 $execute0_lowered;
	[smem:$0x3FD2] =	sst s25  }
0xa7: {  	s6 =	sshll.u32 s26, $0x1;
	_ =	strace $0x80000049;
	[dreg:$0x1] =	wrdreg $0xFFFFFFFF  }
0xa8: {  	s28 =	simm.s32 $_size_execute0_lowered;
	s4 =	sadd.s32 s4, s6;
	[dreg:$0x0] =	wrdreg $0x0  }
0xa9: {  	s6 =	sshll.u32 s28, $0x1;
	[dreg:$0x2] =	wrdreg s4  }
0xaa: {  	[dreg:$0x3] =	wrdreg s6  }
0xab: {  	[dreg:$0x4] =	wrdreg $0xC0  }
0xac: {  	_ =	task [dreg:s8], $0x5FFFF  }
0xad: {  	[dreg:$0x1] =	wrdreg $0xFFFFFFFF  }
0xae: {  	[dreg:$0x0] =	wrdreg $0x60  }
0xaf: {  	[dreg:$0x2] =	wrdreg s2  }
0xb0: {  	[dreg:$0x3] =	wrdreg s24  }
0xb1: {  	[dreg:$0x4] =	wrdreg s18  }
0xb2: {  	[dreg:$0x5] =	wrdreg $0xE0000  }
0xb3: {  	[dreg:$0x6] =	wrdreg $0x9  }
0xb4: {  	_ =	task.clear_ibuf [dreg:s8], $0x7FFFF;
	_ =	strace $0x90000049  }
0xb5: {  	s29 =	simm.s32 $0x9;
	_ =	strace $0x8000004B  }
0xb6: {  	_ =	swait.ge [sflag:s29], $0x1  }
0xb7: {  	[sflag:s29] =	ssyncadd.s32 $0xFFFFFFFF  }
0xb8: {  	_ =	strace $0x9000004B  }
0xb9: {  	_ =	sfence  }
0xba: {  	s30 =	sld [smem:$0x0];
	_ =	sdelay $0x2  }
0xbb: {  	s31 =	sshll.u32 s1, $0xD;
	s1 =	sshrl.u32 s1, $0x2  }
0xbc: {  	s3 =	sand.u32 $0x4000, s31;
	s1 =	sadd.s32 s1, s30  }
0xbd: {  	s0 =	sor.u32 s3, s0;
	s1 =	sshll.u32 s1, $0x11  }
0xbe: {  	s0 =	sor.u32 s1, s0  }
0xbf: {  	s0 =	sadd.s32 $0x8F2B, s0  }
0xc0: {  	[sflag:s0] =	ssyncadd.remote.s32 $0x1  }
0xc1: {  	_ =	sfence.sel $0xFFFF  }
0xc2: {  	[dreg:$0x0] =	wrdreg $0xFFFFFFFF;
	(pc) =	sbr.abs _section_cstart, $3  }
0xc3: {  	[dreg:$0x1] =	wrdreg $0xFFFFFFFF  }
0xc4: {  	_ =	task.clear_ibuf [dreg:s8], $0x2FFFF;
	_ =	strace $0x9FFFFFFF  }
0xc5: {  	(tm) =	ssettm $0x7FFFFFFF  }
tec
execute0_lowered:
.L_overlay_start_1:
0x0: {  	(tag) =	ssettag $0x1  }
0x1: {  	s1 =	rddreg [dreg:$0x0]  }
0x2: {  	s2 =	rddreg [dreg:$0x1]  }
0x3: {  	s3 =	rddreg [dreg:$0x2]  }
0x4: {  	s5 =	srdreg.scid;
	s0 =	stileid.u32  }
0x5: {  	s4 =	rddreg [dreg:$0x3];
	s13 =	simm.s32 $0x7;
	s16 =	simm.s32 $0x50  }
0x6: {  	s17 =	simm.s32 $0x9000;
	s18 =	simm.s32 $0x6800;
	s19 =	simm.s32 $0xB800  }
0x7: {  	s20 =	simm.s32 $0x1;
	s21 =	simm.s32 $0x3;
	s22 =	simm.s32 $0x5  }
0x8: {  	s23 =	simm.s32 $0x2;
	s24 =	simm.s32 $0x4;
	s25 =	simm.s32 $0x6  }
0x9: {  	s6 =	sand.u32 $0x1, s5;
	s7 =	sshll.u32 s0, $0x1;
	s5 =	simm.s32 $0x0  }
0xa: {  	s9 =	sshll.u32 s0, $0xA;
	s28 =	sshll.u32 s0, $0xD;
	s31 =	sshll.u32 s0, $0x6  }
0xb: {  	s7 =	sor.u32 s6, s7;
	[smem:$0x7FF] =	sst s5;
	s6 =	ssub.s32 $0x2, s6  }
0xc: {  	s15 =	sadd.s32 s28, s4;
	s14 =	sor.u32 $0x1C07, s31;
	s8 =	sshll.u32 s7, $0xB  }
0xd: {  	_ =	strace $0x8000004A;
	s10 =	smul.u32 $0x27100, s7;
	s26 =	sshrl.u32 s6, $0x1  }
0xe: {  	s11 =	smul.u32 $0x138800, s7;
	s15 =	sshrl.u32 s15, $0x3;
	s8 =	sadd.s32 s8, s2  }
0xf: {  	s2 =	sadd.s32 s9, s2;
	s12 =	ssub.s32 s6, s26;
	s6 =	smul.u32 $0x7D, s7  }
0x10: {  	s26 =	simm.s32 $0x0;
	s7 =	sadd.s32 s1, s10;
	s29 =	sshrl.u32 s11, $0x3  }
0x11: {  	s8 =	sadd.s32 $0x1A00, s8;
	s9 =	sadd.s32 $0x11A00, s2;
	s30 =	sadd.s32 s3, s29  }
0x12: {  	s11 =	smax.u32 s12, $0x1;
	s12 =	simm.s32 $0x4000;
	s10 =	sadd.s32 $0x26C00, s30  }
.LBB2_1:
0x13: {  	[tilespmem:s12], [sflag:$0x1] =	stream.linear.gather [hbm4b:s7+s5], $0x2800, $0x38;
	[tilespmem:$0x10000] =	vst v63  }
0x14: {  	_ = 	snop  }
0x15: {  	[tilespmem:s5], [sflag:$0x7] =	stream.linear.gather [hbm4b:s8+s5], $0x3E80, $0x38;
	[tilespmem:$0x10000] =	vst v63  }
0x16: {  	_ =	swait.ge [sflag:s13], $0x3E80  }
0x17: {  	[sflag:s13] =	ssyncset.done $0x0  }
0x18: {  	[sflag:s13] =	ssyncadd.s32 $0xFFFFC180  }
0x19: {  	[spmem:s15], [sflag:s14] =	dma.local [hbm:s9], $0x400  }
0x1a: {  	_ =	swait.ge [sflag:s13], $0x400  }
0x1b: {  	[sflag:s13] =	ssyncset.done $0x0  }
0x1c: {  	[sflag:s13] =	ssyncadd.s32 $0xFFFFFC00  }
0x1d: {  	s28 =	simm.s32 $0x0;
	[bflag:$0x0] =	sbarrier.arrive $0xFFFF  }
0x1e: {  	[tilespmem:s17], [sflag:$0x3] =	stream.indirect.gather [spmem:s4], $0x80, s5, s16, $0xb8;
	[tilespmem:$0x10000] =	vst v63  }
.LBB2_2:
0x1f: {  	s30 =	sshll.u32 s28, $0x1  }
0x20: {  	p0 =	seq.s32 s28, $0x0;
	s2 =	sor.u32 $0x1, s30  }
0x21: {  	s31 =	simm.s32 @!p0 $0x6;
	s29 =	sadd.s32 s6, s2  }
0x22: {  	_ =	swait.ge @!p0 [sflag:s31], $0x2800;
	s29 =	smul.u32 $0x500, s29  }
0x23: {  	s0 =	simm.s32 $0x0;
	[sflag:s31] =	ssyncset.done @!p0 $0x0  }
0x24: {  	s2 =	sshll.u32 s2, $0x7;
	[sflag:s31] =	ssyncadd.s32 @!p0 $0xFFFFD800;
	s31 =	sadd.s32 s1, s29  }
0x25: {  	[tilespmem:s18], [sflag:$0x2] =	stream.linear.gather [hbm4b:s31+s0], $0x2800, $0x38;
	[tilespmem:$0x10000] =	vst v63  }
0x26: {  	s0 =	sand.u32 $0x3FFFFF80, s2  }
0x27: {  	[tilespmem:s19], [sflag:$0x4] =	stream.indirect.gather [spmem:s4], $0x80, s0, s16, $0xb8;
	[tilespmem:$0x10000] =	vst v63  }
0x28: {  	_ =	swait.ge [sflag:s20], $0x2800  }
0x29: {  	[sflag:s20] =	ssyncset.done $0x0  }
0x2a: {  	[sflag:s20] =	ssyncadd.s32 $0xFFFFD800  }
0x2b: {  	_ =	swait.ge [sflag:s21], $0x2800  }
0x2c: {  	[sflag:s21] =	ssyncset.done $0x0  }
0x2d: {  	s31 =	simm.s32 $0x0;
	[sflag:s21] =	ssyncadd.s32 $0xFFFFD800  }
0x2e: {  	v7 =	vld [tilespmem:s31+$0x9000]  }
0x2f: {  	v11 =	vld [tilespmem:s31+$0x9010]  }
0x30: {  	v5 =	vld [tilespmem:s31+$0x9020]  }
0x31: {  	v4 =	vld [tilespmem:s31+$0x9030]  }
0x32: {  	v3 =	vld [tilespmem:s31+$0x9040]  }
0x33: {  	v2 =	vld [tilespmem:s31+$0x9050]  }
0x34: {  	v1 =	vld [tilespmem:s31+$0x9060]  }
0x35: {  	v0 =	vld [tilespmem:s31+$0x9070]  }
0x36: {  	v12 =	vld [tilespmem:s31+$0x4000]  }
0x37: {  	v13 =	vld [tilespmem:s31+$0x4010]  }
0x38: {  	v10 =	vld [tilespmem:s31+$0x4020]  }
0x39: {  	v9 =	vld [tilespmem:s31+$0x4030]  }
0x3a: {  	v8 =	vld [tilespmem:s31+$0x4040]  }
0x3b: {  	v6 =	vld [tilespmem:s31+$0x4050];
	v12 =	vmul.f32 v7, v12  }
0x3c: {  	s2 =	simm.s32 $0x200;
	v11 =	vmul.f32 v11, v13;
	v7 =	vld [tilespmem:s31+$0x4060]  }
.LBB2_3:
0x3d: {  	s0 =	sshra.s32 s2, $0x2;
	p0 =	sne.s32 s2, $0x9E00;
	[tilespmem:s31+$0x4000] =	vst v12;
	v5 =	vmul.f32 v5, v10;
	v10 =	vld [tilespmem:s31+$0x4070]  }
0x3e: {  	v12 =	vld [tilespmem:s0+$0x9000];
	[tilespmem:s31+$0x4010] =	vst v11;
	v4 =	vmul.f32 v4, v9  }
0x3f: {  	v11 =	vld [tilespmem:s0+$0x9010];
	[tilespmem:s31+$0x4020] =	vst v5;
	v3 =	vmul.f32 v3, v8  }
0x40: {  	v5 =	vld [tilespmem:s0+$0x9020];
	[tilespmem:s31+$0x4030] =	vst v4;
	v2 =	vmul.f32 v2, v6  }
0x41: {  	v4 =	vld [tilespmem:s0+$0x9030];
	[tilespmem:s31+$0x4040] =	vst v3;
	v1 =	vmul.f32 v1, v7  }
0x42: {  	v3 =	vld [tilespmem:s0+$0x9040];
	[tilespmem:s31+$0x4050] =	vst v2;
	v0 =	vmul.f32 v0, v10  }
0x43: {  	v2 =	vld [tilespmem:s0+$0x9050];
	[tilespmem:s31+$0x4060] =	vst v1  }
0x44: {  	v1 =	vld [tilespmem:s0+$0x9060];
	[tilespmem:s31+$0x4070] =	vst v0;
	s31 =	smov.u32 s0  }
0x45: {  	v0 =	vld [tilespmem:s31+$0x9070]  }
0x46: {  	v6 =	vld [tilespmem:s31+$0x4000]  }
0x47: {  	v7 =	vld [tilespmem:s31+$0x4010]  }
.Ltmp0:
0x48: {  	v10 =	vld [tilespmem:s31+$0x4020];
	(pc) =	sbr.rel @p0 .LBB2_3-.Ltmp0, $4  }
0x49: {  	v9 =	vld [tilespmem:s31+$0x4030]  }
0x4a: {  	v8 =	vld [tilespmem:s31+$0x4040]  }
0x4b: {  	v12 =	vmul.f32 v12, v6;
	v6 =	vld [tilespmem:s31+$0x4050]  }
0x4c: {  	s2 =	sadd.s32 $0x200, s2;
	v11 =	vmul.f32 v11, v7;
	v7 =	vld [tilespmem:s31+$0x4060]  }
0x4d: {  	[tilespmem:s31+$0x4000] =	vst v12;
	v5 =	vmul.f32 v5, v10;
	v10 =	vld [tilespmem:s31+$0x4070]  }
0x4e: {  	[tilespmem:s31+$0x4010] =	vst v11;
	v4 =	vmul.f32 v4, v9  }
0x4f: {  	[tilespmem:s31+$0x4020] =	vst v5;
	v3 =	vmul.f32 v3, v8  }
0x50: {  	[tilespmem:s31+$0x4030] =	vst v4;
	v2 =	vmul.f32 v2, v6  }
0x51: {  	s0 =	sadd.s32 s6, s30;
	[tilespmem:s31+$0x4040] =	vst v3;
	v1 =	vmul.f32 v1, v7  }
0x52: {  	s0 =	smul.u32 $0x500, s0;
	[tilespmem:s31+$0x4050] =	vst v2;
	v0 =	vmul.f32 v0, v10  }
0x53: {  	[tilespmem:s31+$0x4060] =	vst v1  }
0x54: {  	s2 =	simm.s32 $0x0;
	s0 =	sadd.s32 s3, s0;
	[tilespmem:s31+$0x4070] =	vst v0;
	s31 =	sadd.s32 $0x2, s30  }
0x55: {  	[hbm4b:s0+s2] =	stream.linear.scatter [tilespmem:s12], [sflag:$0x5], $0x2800, $0x38;
	[tilespmem:$0x10000] =	vst v63  }
0x56: {  	s30 =	sadd.s32 s6, s31  }
0x57: {  	_ =	swait.ge [sflag:s22], $0x2800;
	s30 =	smul.u32 $0x500, s30  }
0x58: {  	[sflag:s22] =	ssyncset.done $0x0  }
0x59: {  	s0 =	sshll.u32 s31, $0x7;
	[sflag:s22] =	ssyncadd.s32 $0xFFFFD800;
	s30 =	sadd.s32 s1, s30  }
0x5a: {  	[tilespmem:s12], [sflag:$0x1] =	stream.linear.gather [hbm4b:s30+s2], $0x2800, $0x38;
	[tilespmem:$0x10000] =	vst v63  }
0x5b: {  	s0 =	sand.u32 $0x3FFFFF80, s0  }
0x5c: {  	[tilespmem:s17], [sflag:$0x3] =	stream.indirect.gather [spmem:s4], $0x80, s0, s16, $0xb8;
	[tilespmem:$0x10000] =	vst v63  }
0x5d: {  	_ =	swait.ge [sflag:s23], $0x2800  }
0x5e: {  	[sflag:s23] =	ssyncset.done $0x0  }
0x5f: {  	[sflag:s23] =	ssyncadd.s32 $0xFFFFD800  }
0x60: {  	_ =	swait.ge [sflag:s24], $0x2800  }
0x61: {  	[sflag:s24] =	ssyncset.done $0x0  }
0x62: {  	s30 =	simm.s32 $0x0;
	[sflag:s24] =	ssyncadd.s32 $0xFFFFD800  }
0x63: {  	v7 =	vld [tilespmem:s30+$0xB800]  }
0x64: {  	v11 =	vld [tilespmem:s30+$0xB810]  }
0x65: {  	v5 =	vld [tilespmem:s30+$0xB820]  }
0x66: {  	v4 =	vld [tilespmem:s30+$0xB830]  }
0x67: {  	v3 =	vld [tilespmem:s30+$0xB840]  }
0x68: {  	v2 =	vld [tilespmem:s30+$0xB850]  }
0x69: {  	v1 =	vld [tilespmem:s30+$0xB860]  }
0x6a: {  	v0 =	vld [tilespmem:s30+$0xB870]  }
0x6b: {  	v12 =	vld [tilespmem:s30+$0x6800]  }
0x6c: {  	v13 =	vld [tilespmem:s30+$0x6810]  }
0x6d: {  	v10 =	vld [tilespmem:s30+$0x6820]  }
0x6e: {  	v9 =	vld [tilespmem:s30+$0x6830]  }
0x6f: {  	v8 =	vld [tilespmem:s30+$0x6840]  }
0x70: {  	v6 =	vld [tilespmem:s30+$0x6850];
	v12 =	vmul.f32 v7, v12  }
0x71: {  	s2 =	simm.s32 $0x200;
	v11 =	vmul.f32 v11, v13;
	v7 =	vld [tilespmem:s30+$0x6860]  }
.LBB2_5:
0x72: {  	s0 =	sshra.s32 s2, $0x2;
	p0 =	sne.s32 s2, $0x9E00;
	[tilespmem:s30+$0x6800] =	vst v12;
	v5 =	vmul.f32 v5, v10;
	v10 =	vld [tilespmem:s30+$0x6870]  }
0x73: {  	v12 =	vld [tilespmem:s0+$0xB800];
	[tilespmem:s30+$0x6810] =	vst v11;
	v4 =	vmul.f32 v4, v9  }
0x74: {  	v11 =	vld [tilespmem:s0+$0xB810];
	[tilespmem:s30+$0x6820] =	vst v5;
	v3 =	vmul.f32 v3, v8  }
0x75: {  	v5 =	vld [tilespmem:s0+$0xB820];
	[tilespmem:s30+$0x6830] =	vst v4;
	v2 =	vmul.f32 v2, v6  }
0x76: {  	v4 =	vld [tilespmem:s0+$0xB830];
	[tilespmem:s30+$0x6840] =	vst v3;
	v1 =	vmul.f32 v1, v7  }
0x77: {  	v3 =	vld [tilespmem:s0+$0xB840];
	[tilespmem:s30+$0x6850] =	vst v2;
	v0 =	vmul.f32 v0, v10  }
0x78: {  	v2 =	vld [tilespmem:s0+$0xB850];
	[tilespmem:s30+$0x6860] =	vst v1  }
0x79: {  	v1 =	vld [tilespmem:s0+$0xB860];
	[tilespmem:s30+$0x6870] =	vst v0;
	s30 =	smov.u32 s0  }
0x7a: {  	v0 =	vld [tilespmem:s30+$0xB870]  }
0x7b: {  	v6 =	vld [tilespmem:s30+$0x6800]  }
0x7c: {  	v7 =	vld [tilespmem:s30+$0x6810]  }
.Ltmp1:
0x7d: {  	v10 =	vld [tilespmem:s30+$0x6820];
	(pc) =	sbr.rel @p0 .LBB2_5-.Ltmp1, $4  }
0x7e: {  	v9 =	vld [tilespmem:s30+$0x6830]  }
0x7f: {  	v8 =	vld [tilespmem:s30+$0x6840]  }
0x80: {  	v12 =	vmul.f32 v12, v6;
	v6 =	vld [tilespmem:s30+$0x6850]  }
0x81: {  	s2 =	sadd.s32 $0x200, s2;
	v11 =	vmul.f32 v11, v7;
	v7 =	vld [tilespmem:s30+$0x6860]  }
0x82: {  	[tilespmem:s30+$0x6800] =	vst v12;
	v5 =	vmul.f32 v5, v10;
	v63 =	vld [tilespmem:s30+$0x6870]  }
0x83: {  	[tilespmem:s30+$0x6810] =	vst v11;
	v4 =	vmul.f32 v4, v9  }
0x84: {  	s28 =	sadd.s32 $0x1, s28;
	[tilespmem:s30+$0x6820] =	vst v5;
	v3 =	vmul.f32 v3, v8  }
0x85: {  	p0 =	sne.s32 s28, $0x3E;
	[tilespmem:s30+$0x6830] =	vst v4;
	v2 =	vmul.f32 v2, v6  }
.Ltmp2:
0x86: {  	[tilespmem:s30+$0x6840] =	vst v3;
	v1 =	vmul.f32 v1, v7;
	(pc) =	sbr.rel @p0 .LBB2_2-.Ltmp2, $4  }
0x87: {  	[tilespmem:s30+$0x6850] =	vst v2;
	v0 =	vmul.f32 v0, v63  }
0x88: {  	[tilespmem:s30+$0x6860] =	vst v1  }
0x89: {  	s0 =	sadd.s32 s3, s29;
	[tilespmem:s30+$0x6870] =	vst v0  }
0x8a: {  	[hbm4b:s0+s5] =	stream.linear.scatter [tilespmem:s18], [sflag:$0x6], $0x2800, $0x38;
	[tilespmem:$0x10000] =	vst v63  }
0x8b: {  	_ =	swait.ge [sflag:s25], $0x2800  }
0x8c: {  	[sflag:s25] =	ssyncset.done $0x0  }
0x8d: {  	[sflag:s25] =	ssyncadd.s32 $0xFFFFD800  }
0x8e: {  	_ =	swait.ge [sflag:s20], $0x2800  }
0x8f: {  	[sflag:s20] =	ssyncset.done $0x0  }
0x90: {  	[sflag:s20] =	ssyncadd.s32 $0xFFFFD800  }
0x91: {  	_ =	swait.ge [sflag:s21], $0x2800  }
0x92: {  	[sflag:s21] =	ssyncset.done $0x0  }
0x93: {  	s28 =	simm.s32 $0x0;
	[sflag:s21] =	ssyncadd.s32 $0xFFFFD800  }
0x94: {  	v7 =	vld [tilespmem:s28+$0x9000]  }
0x95: {  	v11 =	vld [tilespmem:s28+$0x9010]  }
0x96: {  	v5 =	vld [tilespmem:s28+$0x9020]  }
0x97: {  	v4 =	vld [tilespmem:s28+$0x9030]  }
0x98: {  	v3 =	vld [tilespmem:s28+$0x9040]  }
0x99: {  	v2 =	vld [tilespmem:s28+$0x9050]  }
0x9a: {  	v1 =	vld [tilespmem:s28+$0x9060]  }
0x9b: {  	v0 =	vld [tilespmem:s28+$0x9070]  }
0x9c: {  	v12 =	vld [tilespmem:s28+$0x4000]  }
0x9d: {  	v13 =	vld [tilespmem:s28+$0x4010]  }
0x9e: {  	v10 =	vld [tilespmem:s28+$0x4020]  }
0x9f: {  	v9 =	vld [tilespmem:s28+$0x4030]  }
0xa0: {  	v8 =	vld [tilespmem:s28+$0x4040]  }
0xa1: {  	v6 =	vld [tilespmem:s28+$0x4050];
	v12 =	vmul.f32 v7, v12  }
0xa2: {  	s2 =	simm.s32 $0x200;
	v11 =	vmul.f32 v11, v13;
	v7 =	vld [tilespmem:s28+$0x4060]  }
.LBB2_8:
0xa3: {  	s0 =	sshra.s32 s2, $0x2;
	p0 =	sne.s32 s2, $0x9E00;
	[tilespmem:s28+$0x4000] =	vst v12;
	v5 =	vmul.f32 v5, v10;
	v10 =	vld [tilespmem:s28+$0x4070]  }
0xa4: {  	v12 =	vld [tilespmem:s0+$0x9000];
	[tilespmem:s28+$0x4010] =	vst v11;
	v4 =	vmul.f32 v4, v9  }
0xa5: {  	v11 =	vld [tilespmem:s0+$0x9010];
	[tilespmem:s28+$0x4020] =	vst v5;
	v3 =	vmul.f32 v3, v8  }
0xa6: {  	v5 =	vld [tilespmem:s0+$0x9020];
	[tilespmem:s28+$0x4030] =	vst v4;
	v2 =	vmul.f32 v2, v6  }
0xa7: {  	v4 =	vld [tilespmem:s0+$0x9030];
	[tilespmem:s28+$0x4040] =	vst v3;
	v1 =	vmul.f32 v1, v7  }
0xa8: {  	v3 =	vld [tilespmem:s0+$0x9040];
	[tilespmem:s28+$0x4050] =	vst v2;
	v0 =	vmul.f32 v0, v10  }
0xa9: {  	v2 =	vld [tilespmem:s0+$0x9050];
	[tilespmem:s28+$0x4060] =	vst v1  }
0xaa: {  	v1 =	vld [tilespmem:s0+$0x9060];
	[tilespmem:s28+$0x4070] =	vst v0;
	s28 =	smov.u32 s0  }
0xab: {  	v0 =	vld [tilespmem:s28+$0x9070]  }
0xac: {  	v6 =	vld [tilespmem:s28+$0x4000]  }
0xad: {  	v7 =	vld [tilespmem:s28+$0x4010]  }
.Ltmp3:
0xae: {  	v10 =	vld [tilespmem:s28+$0x4020];
	(pc) =	sbr.rel @p0 .LBB2_8-.Ltmp3, $4  }
0xaf: {  	v9 =	vld [tilespmem:s28+$0x4030]  }
0xb0: {  	v8 =	vld [tilespmem:s28+$0x4040]  }
0xb1: {  	v12 =	vmul.f32 v12, v6;
	v6 =	vld [tilespmem:s28+$0x4050]  }
0xb2: {  	s2 =	sadd.s32 $0x200, s2;
	v11 =	vmul.f32 v11, v7;
	v7 =	vld [tilespmem:s28+$0x4060]  }
0xb3: {  	[tilespmem:s28+$0x4000] =	vst v12;
	v5 =	vmul.f32 v5, v10;
	v63 =	vld [tilespmem:s28+$0x4070]  }
0xb4: {  	[tilespmem:s28+$0x4010] =	vst v11;
	v4 =	vmul.f32 v4, v9  }
0xb5: {  	[tilespmem:s28+$0x4020] =	vst v5;
	v3 =	vmul.f32 v3, v8  }
0xb6: {  	[tilespmem:s28+$0x4030] =	vst v4;
	v2 =	vmul.f32 v2, v6  }
0xb7: {  	[tilespmem:s28+$0x4040] =	vst v3;
	v1 =	vmul.f32 v1, v7  }
0xb8: {  	s26 =	sadd.s32 $0x1, s26;
	[tilespmem:s28+$0x4050] =	vst v2;
	v0 =	vmul.f32 v0, v63  }
0xb9: {  	p0 =	sne.s32 s26, s11;
	[tilespmem:s28+$0x4060] =	vst v1  }
.Ltmp4:
0xba: {  	[tilespmem:s28+$0x4070] =	vst v0;
	(pc) =	sbr.rel @p0 .LBB2_1-.Ltmp4, $4  }
0xbb: {  	[hbm4b:s10+s5] =	stream.linear.scatter [tilespmem:s12], [sflag:$0x5], $0x2800, $0x38;
	[tilespmem:$0x10000] =	vst v63  }
0xbc: {  	_ =	swait.ge [sflag:s22], $0x2800  }
0xbd: {  	[sflag:s22] =	ssyncset.done $0x0  }
0xbe: {  	[sflag:s22] =	ssyncadd.s32 $0xFFFFD800  }
0xbf: {  	_ =	sfence.sel $0x180000  }
0xc0: {  	[bflag:$0x0] =	sbarrier.arrive $0xFFFF  }
0xc1: {  	_ =	strace $0x9000004A  }
0xc2: {  	s0 =	stileid.u32;
	[bflag:$0x2] =	sbarrier.arrive $0xFFFF  }
0xc3: {  	p0 =	sne.s32 s0, $0x0;
	s0 =	rddreg [dreg:$0x4]  }
0xc4: {  	s0 =	sadd.s32 @!p0 $0x100000, s0  }
0xc5: {  	[sflag:s0] =	ssyncadd.tile.s32 @!p0 $0x1;
	_ =	shalt  }
.Lfunc_end2:
_tile_overlayer_lowered:
.L_overlay_start_2:
0xc6: {  	(tag) =	ssettag $0x2  }
0xc7: {  	s0 =	rddreg [dreg:$0x0];
	s2 =	stileid.u32  }
0xc8: {  	s1 =	rddreg [dreg:$0x1];
	p0 =	sne.s32 s2, $0x0  }
0xc9: {  	s3 =	rddreg [dreg:$0x2];
	[bflag:$0x3] =	sbarrier.arrive $0xFFFF;
	s2 =	simm.s32 @!p0 $0x1C07  }
0xca: {  	[timem:s3], [sflag:s2] =	dma.local @!p0 [hbm:s0], s1  }
0xcb: {  	s0 =	simm.s32 @!p0 $0x7  }
0xcc: {  	_ =	swait.ge @!p0 [sflag:s0], s1  }
0xcd: {  	s1 =	ssub.s32 @!p0 $0x0, s1;
	[sflag:s0] =	ssyncset.done @!p0 $0x0  }
0xce: {  	[sflag:s0] =	ssyncadd.s32 @!p0 s1  }
0xcf: {  	[bflag:$0x3] =	sbarrier.arrive $0xFFFF  }
0xd0: {  	_ =	shalt  }

</sc_bundles>
